<compile_context>
chip_gen: v7x
topology: tpu7x:2x2x1
jax: 0.10.2.dev20260603
libtpu: 0.0.44.dev20260713+nightly
codegen_flags: <defaults>
</compile_context>

<pallas_src>
import math

import jax
import jax.numpy as jnp
from jax import lax
from jax.experimental import pallas as pl
from jax.experimental.pallas import tpu as pltpu
from jax.experimental.pallas import tpu_sc as plsc

MODEL_DIM_K = 512
SCALE = math.sqrt(MODEL_DIM_K)

_NC = 2
_NS = 16
_NW = _NC * _NS
_LANES = 16

_B = 1024 * 200
_BPW = _B // _NW
_C = 64
_NCHUNK = _BPW // _C
_NBUF = 3
_NGROUP = 32


def _embed_body(table_hbm, idx_hbm, out_hbm, idx_v,
                r0, r1, r2, sg0, sg1, sg2, so0, so1, so2):
    rows = [r0, r1, r2]
    sem_g = [sg0, sg1, sg2]
    sem_o = [so0, so1, so2]

    wid = lax.axis_index("s") * _NC + lax.axis_index("c")
    pltpu.sync_copy(idx_hbm.at[wid], idx_v)

    def start_gather(k, b):
        pltpu.async_copy(table_hbm.at[idx_v.at[k]], rows[b], sem_g[b])

    def wait_gather(k, b):
        pltpu.make_async_copy(table_hbm.at[idx_v.at[k]], rows[b],
                              sem_g[b]).wait()

    def start_out(k, b):
        pltpu.async_copy(rows[b], out_hbm.at[wid, k], sem_o[b])

    def wait_out(b):
        pltpu.make_async_copy(rows[b], out_hbm.at[wid, 0], sem_o[b]).wait()

    def scale_buf(b):
        def row(r, c2):
            for c in range(MODEL_DIM_K // _LANES):
                sl = pl.ds(c * _LANES, _LANES)
                rows[b][r, sl] = rows[b][r, sl] * SCALE
            return c2
        lax.fori_loop(0, _C, row, 0, unroll=False)

    def chunk(k, b, lookahead=True, outwait=True):
        if lookahead:
            b2 = (b + 2) % _NBUF
            start_gather(k + 2, b2)
        wait_gather(k, b)

    start_gather(0, 0)
    start_gather(1, 1)
    chunk(0, 0, outwait=False)
    chunk(1, 1)
    chunk(2, 2)

    def group(g, carry):
        k0 = g * _NBUF
        for b in range(_NBUF):
            chunk(k0 + b, b)
        return carry

    lax.fori_loop(1, _NGROUP, group, 0, unroll=False)

    chunk(_NCHUNK - 4, (_NCHUNK - 4) % _NBUF)
    chunk(_NCHUNK - 3, (_NCHUNK - 3) % _NBUF)
    chunk(_NCHUNK - 2, (_NCHUNK - 2) % _NBUF, lookahead=False)
    chunk(_NCHUNK - 1, (_NCHUNK - 1) % _NBUF, lookahead=False)
    pltpu.sync_copy(rows[0], out_hbm.at[wid, 0])


@jax.jit
def _embed(x_flat, table):
    mesh = plsc.VectorSubcoreMesh(core_axis_name="c", subcore_axis_name="s")
    grid_kernel = pl.kernel(
        _embed_body,
        mesh=mesh,
        out_type=jax.ShapeDtypeStruct((_NW, _NCHUNK, _C, MODEL_DIM_K),
                                      jnp.float32),
        scratch_types=[
            pltpu.VMEM((_NCHUNK, _C), jnp.int32),
            pltpu.VMEM((_C, MODEL_DIM_K), jnp.float32),
            pltpu.VMEM((_C, MODEL_DIM_K), jnp.float32),
            pltpu.VMEM((_C, MODEL_DIM_K), jnp.float32),
            pltpu.SemaphoreType.DMA,
            pltpu.SemaphoreType.DMA,
            pltpu.SemaphoreType.DMA,
            pltpu.SemaphoreType.DMA,
            pltpu.SemaphoreType.DMA,
            pltpu.SemaphoreType.DMA,
        ],
    )
    return grid_kernel(table, x_flat)


def kernel(x, table):
    x_flat = x.reshape(_NW, _NCHUNK, _C).astype(jnp.int32)
    out = _embed(x_flat, table)
    return out.reshape(x.shape[0], x.shape[1], MODEL_DIM_K)

# --- scband reference (transcript-rebuilt; emitter-appended) ---
"""Pipeline reference for scband-embeddings-59038620451175 (READ-ONLY COPY).

The authoritative reference and input builder live on the scoring server;
editing this copy changes nothing except your own understanding.
"""

import math
import jax, jax.numpy as jnp
import numpy as np

MODEL_DIM = 512
VOCAB_SIZE = 100000

def setup_inputs(seed: int = 0) -> dict:
    key = jax.random.key(seed)
    k1, k2 = jax.random.split(key)
    x = jax.random.randint(k1, (1024, 200), 0, VOCAB_SIZE, dtype=jnp.int64 if jax.config.jax_enable_x64 else jnp.int32)
    # nn.Embedding default init: N(0, 1)
    table = jax.random.normal(k2, (VOCAB_SIZE, MODEL_DIM), dtype=jnp.float32)
    return {"x": x, "table": table}

def reference(x, table):
    emb = jnp.take(table, x, axis=0)
    return emb * math.sqrt(MODEL_DIM)

if __name__ == "__main__":
    import jax
    _d = setup_inputs()
    print(jax.jit(kernel)(*tuple(_d.values())))

</pallas_src>

<mosaic_0001>
#map = affine_map<(d0, d1) -> (0, 0)>
#map1 = affine_map<(d0, d1) -> (0, 0, 0)>
#map2 = affine_map<(d0, d1) -> (0, 0, 0, 0)>
module attributes {stable_mosaic.version = 14 : i64} {
  func.func @_embed_body(%arg0: i32, %arg1: i32, %arg2: memref<100000x512xf32, #tpu.memory_space<hbm>>, %arg3: memref<32x100x64xi32, #tpu.memory_space<hbm>>, %arg4: memref<32x100x64x512xf32, #tpu.memory_space<hbm>>, %arg5: memref<100x64xi32, #tpu.memory_space<vmem>>, %arg6: memref<64x512xf32, #tpu.memory_space<vmem>>, %arg7: memref<64x512xf32, #tpu.memory_space<vmem>>, %arg8: memref<64x512xf32, #tpu.memory_space<vmem>>, %arg9: memref<!tpu.dma_semaphore, #tpu.memory_space<semaphore_mem>>, %arg10: memref<!tpu.dma_semaphore, #tpu.memory_space<semaphore_mem>>, %arg11: memref<!tpu.dma_semaphore, #tpu.memory_space<semaphore_mem>>, %arg12: memref<!tpu.dma_semaphore, #tpu.memory_space<semaphore_mem>>, %arg13: memref<!tpu.dma_semaphore, #tpu.memory_space<semaphore_mem>>, %arg14: memref<!tpu.dma_semaphore, #tpu.memory_space<semaphore_mem>>) attributes {dimension_semantics = [#tpu.dimension_semantics<core_parallel>, #tpu.dimension_semantics<subcore_parallel>], iteration_bounds = array<i64: 2, 16>, scalar_prefetch = 0 : i64, scratch_operands = 10 : i64, tpu.core_type = #tpu.core_type<sc_vector_subcore>, window_params = [{transform_indices = #map}, {transform_indices = #map1}, {transform_indices = #map2}]} {
    %mul3A = arith.constant 2 : i32
    %mul3A_0 = arith.muli %arg1, %mul3A : i32
    %add3A = arith.addi %mul3A_0, %arg0 : i32
    "tpu.region"() ({
      %run_scoped3A_102 = tpu.sem_alloc : memref<!tpu.dma_semaphore, #tpu.memory_space<semaphore_mem>>
      %dma_start3A_103 = arith.constant 0 : i32
      %dma_start3A_104 = arith.constant 0 : i32
      %dma_start3A_105 = tpu.memref_slice %arg3[%add3A, %dma_start3A_103, %dma_start3A_104] : memref<32x100x64xi32, #tpu.memory_space<hbm>> -> memref<1x100x64xi32, #tpu.memory_space<hbm>>
      %dma_start3A_106 = tpu.memref_squeeze %dma_start3A_105 : memref<1x100x64xi32, #tpu.memory_space<hbm>> -> memref<100x64xi32, #tpu.memory_space<hbm>>
      %dma_start3A_107 = arith.constant 0 : i32
      %dma_start3A_108 = arith.constant 0 : i32
      %dma_start3A_109 = tpu.memref_slice %arg3[%add3A, %dma_start3A_107, %dma_start3A_108] : memref<32x100x64xi32, #tpu.memory_space<hbm>> -> memref<1x100x64xi32, #tpu.memory_space<hbm>>
      %dma_start3A_110 = tpu.memref_squeeze %dma_start3A_109 : memref<1x100x64xi32, #tpu.memory_space<hbm>> -> memref<100x64xi32, #tpu.memory_space<hbm>>
      tpu.enqueue_dma source(%dma_start3A_110 : memref<100x64xi32, #tpu.memory_space<hbm>>) target(%arg5 : memref<100x64xi32, #tpu.memory_space<vmem>>) target_semaphore(%run_scoped3A_102 : memref<!tpu.dma_semaphore, #tpu.memory_space<semaphore_mem>>)
      %dma_wait3A_111 = arith.constant 0 : i32
      %dma_wait3A_112 = arith.constant 0 : i32
      %dma_wait3A_113 = tpu.memref_slice %arg3[%add3A, %dma_wait3A_111, %dma_wait3A_112] : memref<32x100x64xi32, #tpu.memory_space<hbm>> -> memref<1x100x64xi32, #tpu.memory_space<hbm>>
      %dma_wait3A_114 = tpu.memref_squeeze %dma_wait3A_113 : memref<1x100x64xi32, #tpu.memory_space<hbm>> -> memref<100x64xi32, #tpu.memory_space<hbm>>
      %dma_wait3A_115 = arith.constant 0 : i32
      %dma_wait3A_116 = arith.constant 0 : i32
      %dma_wait3A_117 = tpu.memref_slice %arg3[%add3A, %dma_wait3A_115, %dma_wait3A_116] : memref<32x100x64xi32, #tpu.memory_space<hbm>> -> memref<1x100x64xi32, #tpu.memory_space<hbm>>
      %dma_wait3A_118 = tpu.memref_squeeze %dma_wait3A_117 : memref<1x100x64xi32, #tpu.memory_space<hbm>> -> memref<100x64xi32, #tpu.memory_space<hbm>>
      tpu.wait_dma2 semaphore(%run_scoped3A_102 : memref<!tpu.dma_semaphore, #tpu.memory_space<semaphore_mem>>) src(%dma_wait3A_118 : memref<100x64xi32, #tpu.memory_space<hbm>>) dst(%arg5 : memref<100x64xi32, #tpu.memory_space<vmem>>)
      tpu.yield
    }) : () -> ()
    %dma_start3A = arith.constant 0 : i32
    %dma_start3A_1 = arith.constant 0 : i32
    %dma_start3A_2 = tpu.memref_slice %arg5[%dma_start3A, %dma_start3A_1] : memref<100x64xi32, #tpu.memory_space<vmem>> -> memref<1x64xi32, #tpu.memory_space<vmem>>
    %dma_start3A_3 = tpu.memref_squeeze %dma_start3A_2 : memref<1x64xi32, #tpu.memory_space<vmem>> -> memref<64xi32, #tpu.memory_space<vmem>>
    %dma_start3A_4 = arith.constant 0 : i32
    %dma_start3A_5 = arith.constant 0 : i32
    %dma_start3A_6 = tpu.memref_slice %arg2[%dma_start3A_4, %dma_start3A_5] : memref<100000x512xf32, #tpu.memory_space<hbm>> -> memref<100000x512xf32, #tpu.memory_space<hbm>>
    tpu.enqueue_indirect_dma source(%dma_start3A_6 : memref<100000x512xf32, #tpu.memory_space<hbm>>) target(%arg6 : memref<64x512xf32, #tpu.memory_space<vmem>>) offsets(%dma_start3A_3 : memref<64xi32, #tpu.memory_space<vmem>>) semaphore(%arg9 : memref<!tpu.dma_semaphore, #tpu.memory_space<semaphore_mem>>)
    %dma_start3A_7 = arith.constant 1 : i32
    %dma_start3A_8 = arith.constant 0 : i32
    %dma_start3A_9 = tpu.memref_slice %arg5[%dma_start3A_7, %dma_start3A_8] : memref<100x64xi32, #tpu.memory_space<vmem>> -> memref<1x64xi32, #tpu.memory_space<vmem>>
    %dma_start3A_10 = tpu.memref_squeeze %dma_start3A_9 : memref<1x64xi32, #tpu.memory_space<vmem>> -> memref<64xi32, #tpu.memory_space<vmem>>
    %dma_start3A_11 = arith.constant 0 : i32
    %dma_start3A_12 = arith.constant 0 : i32
    %dma_start3A_13 = tpu.memref_slice %arg2[%dma_start3A_11, %dma_start3A_12] : memref<100000x512xf32, #tpu.memory_space<hbm>> -> memref<100000x512xf32, #tpu.memory_space<hbm>>
    tpu.enqueue_indirect_dma source(%dma_start3A_13 : memref<100000x512xf32, #tpu.memory_space<hbm>>) target(%arg7 : memref<64x512xf32, #tpu.memory_space<vmem>>) offsets(%dma_start3A_10 : memref<64xi32, #tpu.memory_space<vmem>>) semaphore(%arg10 : memref<!tpu.dma_semaphore, #tpu.memory_space<semaphore_mem>>)
    %dma_start3A_14 = arith.constant 2 : i32
    %dma_start3A_15 = arith.constant 0 : i32
    %dma_start3A_16 = tpu.memref_slice %arg5[%dma_start3A_14, %dma_start3A_15] : memref<100x64xi32, #tpu.memory_space<vmem>> -> memref<1x64xi32, #tpu.memory_space<vmem>>
    %dma_start3A_17 = tpu.memref_squeeze %dma_start3A_16 : memref<1x64xi32, #tpu.memory_space<vmem>> -> memref<64xi32, #tpu.memory_space<vmem>>
    %dma_start3A_18 = arith.constant 0 : i32
    %dma_start3A_19 = arith.constant 0 : i32
    %dma_start3A_20 = tpu.memref_slice %arg2[%dma_start3A_18, %dma_start3A_19] : memref<100000x512xf32, #tpu.memory_space<hbm>> -> memref<100000x512xf32, #tpu.memory_space<hbm>>
    tpu.enqueue_indirect_dma source(%dma_start3A_20 : memref<100000x512xf32, #tpu.memory_space<hbm>>) target(%arg8 : memref<64x512xf32, #tpu.memory_space<vmem>>) offsets(%dma_start3A_17 : memref<64xi32, #tpu.memory_space<vmem>>) semaphore(%arg11 : memref<!tpu.dma_semaphore, #tpu.memory_space<semaphore_mem>>)
    %dma_wait3A = arith.constant 0 : i32
    %dma_wait3A_21 = arith.constant 0 : i32
    %dma_wait3A_22 = tpu.memref_slice %arg5[%dma_wait3A, %dma_wait3A_21] : memref<100x64xi32, #tpu.memory_space<vmem>> -> memref<1x64xi32, #tpu.memory_space<vmem>>
    %dma_wait3A_23 = tpu.memref_squeeze %dma_wait3A_22 : memref<1x64xi32, #tpu.memory_space<vmem>> -> memref<64xi32, #tpu.memory_space<vmem>>
    %dma_wait3A_24 = arith.constant 0 : i32
    %dma_wait3A_25 = arith.constant 0 : i32
    %dma_wait3A_26 = tpu.memref_slice %arg2[%dma_wait3A_24, %dma_wait3A_25] : memref<100000x512xf32, #tpu.memory_space<hbm>> -> memref<100000x512xf32, #tpu.memory_space<hbm>>
    tpu.wait_indirect_dma semaphore(%arg9 : memref<!tpu.dma_semaphore, #tpu.memory_space<semaphore_mem>>) src(%dma_wait3A_26 : memref<100000x512xf32, #tpu.memory_space<hbm>>) dst(%arg6 : memref<64x512xf32, #tpu.memory_space<vmem>>)
    %dma_start3A_27 = arith.constant 3 : i32
    %dma_start3A_28 = arith.constant 0 : i32
    %dma_start3A_29 = tpu.memref_slice %arg5[%dma_start3A_27, %dma_start3A_28] : memref<100x64xi32, #tpu.memory_space<vmem>> -> memref<1x64xi32, #tpu.memory_space<vmem>>
    %dma_start3A_30 = tpu.memref_squeeze %dma_start3A_29 : memref<1x64xi32, #tpu.memory_space<vmem>> -> memref<64xi32, #tpu.memory_space<vmem>>
    %dma_start3A_31 = arith.constant 0 : i32
    %dma_start3A_32 = arith.constant 0 : i32
    %dma_start3A_33 = tpu.memref_slice %arg2[%dma_start3A_31, %dma_start3A_32] : memref<100000x512xf32, #tpu.memory_space<hbm>> -> memref<100000x512xf32, #tpu.memory_space<hbm>>
    tpu.enqueue_indirect_dma source(%dma_start3A_33 : memref<100000x512xf32, #tpu.memory_space<hbm>>) target(%arg6 : memref<64x512xf32, #tpu.memory_space<vmem>>) offsets(%dma_start3A_30 : memref<64xi32, #tpu.memory_space<vmem>>) semaphore(%arg9 : memref<!tpu.dma_semaphore, #tpu.memory_space<semaphore_mem>>)
    %dma_wait3A_34 = arith.constant 1 : i32
    %dma_wait3A_35 = arith.constant 0 : i32
    %dma_wait3A_36 = tpu.memref_slice %arg5[%dma_wait3A_34, %dma_wait3A_35] : memref<100x64xi32, #tpu.memory_space<vmem>> -> memref<1x64xi32, #tpu.memory_space<vmem>>
    %dma_wait3A_37 = tpu.memref_squeeze %dma_wait3A_36 : memref<1x64xi32, #tpu.memory_space<vmem>> -> memref<64xi32, #tpu.memory_space<vmem>>
    %dma_wait3A_38 = arith.constant 0 : i32
    %dma_wait3A_39 = arith.constant 0 : i32
    %dma_wait3A_40 = tpu.memref_slice %arg2[%dma_wait3A_38, %dma_wait3A_39] : memref<100000x512xf32, #tpu.memory_space<hbm>> -> memref<100000x512xf32, #tpu.memory_space<hbm>>
    tpu.wait_indirect_dma semaphore(%arg10 : memref<!tpu.dma_semaphore, #tpu.memory_space<semaphore_mem>>) src(%dma_wait3A_40 : memref<100000x512xf32, #tpu.memory_space<hbm>>) dst(%arg7 : memref<64x512xf32, #tpu.memory_space<vmem>>)
    %dma_start3A_41 = arith.constant 4 : i32
    %dma_start3A_42 = arith.constant 0 : i32
    %dma_start3A_43 = tpu.memref_slice %arg5[%dma_start3A_41, %dma_start3A_42] : memref<100x64xi32, #tpu.memory_space<vmem>> -> memref<1x64xi32, #tpu.memory_space<vmem>>
    %dma_start3A_44 = tpu.memref_squeeze %dma_start3A_43 : memref<1x64xi32, #tpu.memory_space<vmem>> -> memref<64xi32, #tpu.memory_space<vmem>>
    %dma_start3A_45 = arith.constant 0 : i32
    %dma_start3A_46 = arith.constant 0 : i32
    %dma_start3A_47 = tpu.memref_slice %arg2[%dma_start3A_45, %dma_start3A_46] : memref<100000x512xf32, #tpu.memory_space<hbm>> -> memref<100000x512xf32, #tpu.memory_space<hbm>>
    tpu.enqueue_indirect_dma source(%dma_start3A_47 : memref<100000x512xf32, #tpu.memory_space<hbm>>) target(%arg7 : memref<64x512xf32, #tpu.memory_space<vmem>>) offsets(%dma_start3A_44 : memref<64xi32, #tpu.memory_space<vmem>>) semaphore(%arg10 : memref<!tpu.dma_semaphore, #tpu.memory_space<semaphore_mem>>)
    %dma_wait3A_48 = arith.constant 2 : i32
    %dma_wait3A_49 = arith.constant 0 : i32
    %dma_wait3A_50 = tpu.memref_slice %arg5[%dma_wait3A_48, %dma_wait3A_49] : memref<100x64xi32, #tpu.memory_space<vmem>> -> memref<1x64xi32, #tpu.memory_space<vmem>>
    %dma_wait3A_51 = tpu.memref_squeeze %dma_wait3A_50 : memref<1x64xi32, #tpu.memory_space<vmem>> -> memref<64xi32, #tpu.memory_space<vmem>>
    %dma_wait3A_52 = arith.constant 0 : i32
    %dma_wait3A_53 = arith.constant 0 : i32
    %dma_wait3A_54 = tpu.memref_slice %arg2[%dma_wait3A_52, %dma_wait3A_53] : memref<100000x512xf32, #tpu.memory_space<hbm>> -> memref<100000x512xf32, #tpu.memory_space<hbm>>
    tpu.wait_indirect_dma semaphore(%arg11 : memref<!tpu.dma_semaphore, #tpu.memory_space<semaphore_mem>>) src(%dma_wait3A_54 : memref<100000x512xf32, #tpu.memory_space<hbm>>) dst(%arg8 : memref<64x512xf32, #tpu.memory_space<vmem>>)
    %scan3A = arith.constant 0 : i32
    %scan3A_55 = arith.constant 1 : i32
    %scan3A_56 = arith.constant 31 : i32
    %scan3A_57 = arith.addi %scan3A_55, %scan3A_56 : i32
    %scan3A_58 = arith.constant 1 : i32
    scf.for %scan3A_102 = %scan3A_55 to %scan3A_57 step %scan3A_58  : i32 {
      %mul3A_103 = arith.constant 3 : i32
      %mul3A_104 = arith.muli %scan3A_102, %mul3A_103 : i32
      %add3A_105 = arith.constant 0 : i32
      %add3A_106 = arith.addi %mul3A_104, %add3A_105 : i32
      %add3A_107 = arith.constant 2 : i32
      %add3A_108 = arith.addi %add3A_106, %add3A_107 : i32
      %dma_start3A_109 = arith.constant 0 : i32
      %dma_start3A_110 = tpu.memref_slice %arg5[%add3A_108, %dma_start3A_109] : memref<100x64xi32, #tpu.memory_space<vmem>> -> memref<1x64xi32, #tpu.memory_space<vmem>>
      %dma_start3A_111 = tpu.memref_squeeze %dma_start3A_110 : memref<1x64xi32, #tpu.memory_space<vmem>> -> memref<64xi32, #tpu.memory_space<vmem>>
      %dma_start3A_112 = arith.constant 0 : i32
      %dma_start3A_113 = arith.constant 0 : i32
      %dma_start3A_114 = tpu.memref_slice %arg2[%dma_start3A_112, %dma_start3A_113] : memref<100000x512xf32, #tpu.memory_space<hbm>> -> memref<100000x512xf32, #tpu.memory_space<hbm>>
      tpu.enqueue_indirect_dma source(%dma_start3A_114 : memref<100000x512xf32, #tpu.memory_space<hbm>>) target(%arg8 : memref<64x512xf32, #tpu.memory_space<vmem>>) offsets(%dma_start3A_111 : memref<64xi32, #tpu.memory_space<vmem>>) semaphore(%arg11 : memref<!tpu.dma_semaphore, #tpu.memory_space<semaphore_mem>>)
      %dma_wait3A_115 = arith.constant 0 : i32
      %dma_wait3A_116 = tpu.memref_slice %arg5[%add3A_106, %dma_wait3A_115] : memref<100x64xi32, #tpu.memory_space<vmem>> -> memref<1x64xi32, #tpu.memory_space<vmem>>
      %dma_wait3A_117 = tpu.memref_squeeze %dma_wait3A_116 : memref<1x64xi32, #tpu.memory_space<vmem>> -> memref<64xi32, #tpu.memory_space<vmem>>
      %dma_wait3A_118 = arith.constant 0 : i32
      %dma_wait3A_119 = arith.constant 0 : i32
      %dma_wait3A_120 = tpu.memref_slice %arg2[%dma_wait3A_118, %dma_wait3A_119] : memref<100000x512xf32, #tpu.memory_space<hbm>> -> memref<100000x512xf32, #tpu.memory_space<hbm>>
      tpu.wait_indirect_dma semaphore(%arg9 : memref<!tpu.dma_semaphore, #tpu.memory_space<semaphore_mem>>) src(%dma_wait3A_120 : memref<100000x512xf32, #tpu.memory_space<hbm>>) dst(%arg6 : memref<64x512xf32, #tpu.memory_space<vmem>>)
      %add3A_121 = arith.constant 1 : i32
      %add3A_122 = arith.addi %mul3A_104, %add3A_121 : i32
      %add3A_123 = arith.constant 2 : i32
      %add3A_124 = arith.addi %add3A_122, %add3A_123 : i32
      %dma_start3A_125 = arith.constant 0 : i32
      %dma_start3A_126 = tpu.memref_slice %arg5[%add3A_124, %dma_start3A_125] : memref<100x64xi32, #tpu.memory_space<vmem>> -> memref<1x64xi32, #tpu.memory_space<vmem>>
      %dma_start3A_127 = tpu.memref_squeeze %dma_start3A_126 : memref<1x64xi32, #tpu.memory_space<vmem>> -> memref<64xi32, #tpu.memory_space<vmem>>
      %dma_start3A_128 = arith.constant 0 : i32
      %dma_start3A_129 = arith.constant 0 : i32
      %dma_start3A_130 = tpu.memref_slice %arg2[%dma_start3A_128, %dma_start3A_129] : memref<100000x512xf32, #tpu.memory_space<hbm>> -> memref<100000x512xf32, #tpu.memory_space<hbm>>
      tpu.enqueue_indirect_dma source(%dma_start3A_130 : memref<100000x512xf32, #tpu.memory_space<hbm>>) target(%arg6 : memref<64x512xf32, #tpu.memory_space<vmem>>) offsets(%dma_start3A_127 : memref<64xi32, #tpu.memory_space<vmem>>) semaphore(%arg9 : memref<!tpu.dma_semaphore, #tpu.memory_space<semaphore_mem>>)
      %dma_wait3A_131 = arith.constant 0 : i32
      %dma_wait3A_132 = tpu.memref_slice %arg5[%add3A_122, %dma_wait3A_131] : memref<100x64xi32, #tpu.memory_space<vmem>> -> memref<1x64xi32, #tpu.memory_space<vmem>>
      %dma_wait3A_133 = tpu.memref_squeeze %dma_wait3A_132 : memref<1x64xi32, #tpu.memory_space<vmem>> -> memref<64xi32, #tpu.memory_space<vmem>>
      %dma_wait3A_134 = arith.constant 0 : i32
      %dma_wait3A_135 = arith.constant 0 : i32
      %dma_wait3A_136 = tpu.memref_slice %arg2[%dma_wait3A_134, %dma_wait3A_135] : memref<100000x512xf32, #tpu.memory_space<hbm>> -> memref<100000x512xf32, #tpu.memory_space<hbm>>
      tpu.wait_indirect_dma semaphore(%arg10 : memref<!tpu.dma_semaphore, #tpu.memory_space<semaphore_mem>>) src(%dma_wait3A_136 : memref<100000x512xf32, #tpu.memory_space<hbm>>) dst(%arg7 : memref<64x512xf32, #tpu.memory_space<vmem>>)
      %add3A_137 = arith.constant 2 : i32
      %add3A_138 = arith.addi %mul3A_104, %add3A_137 : i32
      %add3A_139 = arith.constant 2 : i32
      %add3A_140 = arith.addi %add3A_138, %add3A_139 : i32
      %dma_start3A_141 = arith.constant 0 : i32
      %dma_start3A_142 = tpu.memref_slice %arg5[%add3A_140, %dma_start3A_141] : memref<100x64xi32, #tpu.memory_space<vmem>> -> memref<1x64xi32, #tpu.memory_space<vmem>>
      %dma_start3A_143 = tpu.memref_squeeze %dma_start3A_142 : memref<1x64xi32, #tpu.memory_space<vmem>> -> memref<64xi32, #tpu.memory_space<vmem>>
      %dma_start3A_144 = arith.constant 0 : i32
      %dma_start3A_145 = arith.constant 0 : i32
      %dma_start3A_146 = tpu.memref_slice %arg2[%dma_start3A_144, %dma_start3A_145] : memref<100000x512xf32, #tpu.memory_space<hbm>> -> memref<100000x512xf32, #tpu.memory_space<hbm>>
      tpu.enqueue_indirect_dma source(%dma_start3A_146 : memref<100000x512xf32, #tpu.memory_space<hbm>>) target(%arg7 : memref<64x512xf32, #tpu.memory_space<vmem>>) offsets(%dma_start3A_143 : memref<64xi32, #tpu.memory_space<vmem>>) semaphore(%arg10 : memref<!tpu.dma_semaphore, #tpu.memory_space<semaphore_mem>>)
      %dma_wait3A_147 = arith.constant 0 : i32
      %dma_wait3A_148 = tpu.memref_slice %arg5[%add3A_138, %dma_wait3A_147] : memref<100x64xi32, #tpu.memory_space<vmem>> -> memref<1x64xi32, #tpu.memory_space<vmem>>
      %dma_wait3A_149 = tpu.memref_squeeze %dma_wait3A_148 : memref<1x64xi32, #tpu.memory_space<vmem>> -> memref<64xi32, #tpu.memory_space<vmem>>
      %dma_wait3A_150 = arith.constant 0 : i32
      %dma_wait3A_151 = arith.constant 0 : i32
      %dma_wait3A_152 = tpu.memref_slice %arg2[%dma_wait3A_150, %dma_wait3A_151] : memref<100000x512xf32, #tpu.memory_space<hbm>> -> memref<100000x512xf32, #tpu.memory_space<hbm>>
      tpu.wait_indirect_dma semaphore(%arg11 : memref<!tpu.dma_semaphore, #tpu.memory_space<semaphore_mem>>) src(%dma_wait3A_152 : memref<100000x512xf32, #tpu.memory_space<hbm>>) dst(%arg8 : memref<64x512xf32, #tpu.memory_space<vmem>>)
    }
    %scan3A_59 = arith.constant 31 : i32
    %dma_start3A_60 = arith.constant 98 : i32
    %dma_start3A_61 = arith.constant 0 : i32
    %dma_start3A_62 = tpu.memref_slice %arg5[%dma_start3A_60, %dma_start3A_61] : memref<100x64xi32, #tpu.memory_space<vmem>> -> memref<1x64xi32, #tpu.memory_space<vmem>>
    %dma_start3A_63 = tpu.memref_squeeze %dma_start3A_62 : memref<1x64xi32, #tpu.memory_space<vmem>> -> memref<64xi32, #tpu.memory_space<vmem>>
    %dma_start3A_64 = arith.constant 0 : i32
    %dma_start3A_65 = arith.constant 0 : i32
    %dma_start3A_66 = tpu.memref_slice %arg2[%dma_start3A_64, %dma_start3A_65] : memref<100000x512xf32, #tpu.memory_space<hbm>> -> memref<100000x512xf32, #tpu.memory_space<hbm>>
    tpu.enqueue_indirect_dma source(%dma_start3A_66 : memref<100000x512xf32, #tpu.memory_space<hbm>>) target(%arg8 : memref<64x512xf32, #tpu.memory_space<vmem>>) offsets(%dma_start3A_63 : memref<64xi32, #tpu.memory_space<vmem>>) semaphore(%arg11 : memref<!tpu.dma_semaphore, #tpu.memory_space<semaphore_mem>>)
    %dma_wait3A_67 = arith.constant 96 : i32
    %dma_wait3A_68 = arith.constant 0 : i32
    %dma_wait3A_69 = tpu.memref_slice %arg5[%dma_wait3A_67, %dma_wait3A_68] : memref<100x64xi32, #tpu.memory_space<vmem>> -> memref<1x64xi32, #tpu.memory_space<vmem>>
    %dma_wait3A_70 = tpu.memref_squeeze %dma_wait3A_69 : memref<1x64xi32, #tpu.memory_space<vmem>> -> memref<64xi32, #tpu.memory_space<vmem>>
    %dma_wait3A_71 = arith.constant 0 : i32
    %dma_wait3A_72 = arith.constant 0 : i32
    %dma_wait3A_73 = tpu.memref_slice %arg2[%dma_wait3A_71, %dma_wait3A_72] : memref<100000x512xf32, #tpu.memory_space<hbm>> -> memref<100000x512xf32, #tpu.memory_space<hbm>>
    tpu.wait_indirect_dma semaphore(%arg9 : memref<!tpu.dma_semaphore, #tpu.memory_space<semaphore_mem>>) src(%dma_wait3A_73 : memref<100000x512xf32, #tpu.memory_space<hbm>>) dst(%arg6 : memref<64x512xf32, #tpu.memory_space<vmem>>)
    %dma_start3A_74 = arith.constant 99 : i32
    %dma_start3A_75 = arith.constant 0 : i32
    %dma_start3A_76 = tpu.memref_slice %arg5[%dma_start3A_74, %dma_start3A_75] : memref<100x64xi32, #tpu.memory_space<vmem>> -> memref<1x64xi32, #tpu.memory_space<vmem>>
    %dma_start3A_77 = tpu.memref_squeeze %dma_start3A_76 : memref<1x64xi32, #tpu.memory_space<vmem>> -> memref<64xi32, #tpu.memory_space<vmem>>
    %dma_start3A_78 = arith.constant 0 : i32
    %dma_start3A_79 = arith.constant 0 : i32
    %dma_start3A_80 = tpu.memref_slice %arg2[%dma_start3A_78, %dma_start3A_79] : memref<100000x512xf32, #tpu.memory_space<hbm>> -> memref<100000x512xf32, #tpu.memory_space<hbm>>
    tpu.enqueue_indirect_dma source(%dma_start3A_80 : memref<100000x512xf32, #tpu.memory_space<hbm>>) target(%arg6 : memref<64x512xf32, #tpu.memory_space<vmem>>) offsets(%dma_start3A_77 : memref<64xi32, #tpu.memory_space<vmem>>) semaphore(%arg9 : memref<!tpu.dma_semaphore, #tpu.memory_space<semaphore_mem>>)
    %dma_wait3A_81 = arith.constant 97 : i32
    %dma_wait3A_82 = arith.constant 0 : i32
    %dma_wait3A_83 = tpu.memref_slice %arg5[%dma_wait3A_81, %dma_wait3A_82] : memref<100x64xi32, #tpu.memory_space<vmem>> -> memref<1x64xi32, #tpu.memory_space<vmem>>
    %dma_wait3A_84 = tpu.memref_squeeze %dma_wait3A_83 : memref<1x64xi32, #tpu.memory_space<vmem>> -> memref<64xi32, #tpu.memory_space<vmem>>
    %dma_wait3A_85 = arith.constant 0 : i32
    %dma_wait3A_86 = arith.constant 0 : i32
    %dma_wait3A_87 = tpu.memref_slice %arg2[%dma_wait3A_85, %dma_wait3A_86] : memref<100000x512xf32, #tpu.memory_space<hbm>> -> memref<100000x512xf32, #tpu.memory_space<hbm>>
    tpu.wait_indirect_dma semaphore(%arg10 : memref<!tpu.dma_semaphore, #tpu.memory_space<semaphore_mem>>) src(%dma_wait3A_87 : memref<100000x512xf32, #tpu.memory_space<hbm>>) dst(%arg7 : memref<64x512xf32, #tpu.memory_space<vmem>>)
    %dma_wait3A_88 = arith.constant 98 : i32
    %dma_wait3A_89 = arith.constant 0 : i32
    %dma_wait3A_90 = tpu.memref_slice %arg5[%dma_wait3A_88, %dma_wait3A_89] : memref<100x64xi32, #tpu.memory_space<vmem>> -> memref<1x64xi32, #tpu.memory_space<vmem>>
    %dma_wait3A_91 = tpu.memref_squeeze %dma_wait3A_90 : memref<1x64xi32, #tpu.memory_space<vmem>> -> memref<64xi32, #tpu.memory_space<vmem>>
    %dma_wait3A_92 = arith.constant 0 : i32
    %dma_wait3A_93 = arith.constant 0 : i32
    %dma_wait3A_94 = tpu.memref_slice %arg2[%dma_wait3A_92, %dma_wait3A_93] : memref<100000x512xf32, #tpu.memory_space<hbm>> -> memref<100000x512xf32, #tpu.memory_space<hbm>>
    tpu.wait_indirect_dma semaphore(%arg11 : memref<!tpu.dma_semaphore, #tpu.memory_space<semaphore_mem>>) src(%dma_wait3A_94 : memref<100000x512xf32, #tpu.memory_space<hbm>>) dst(%arg8 : memref<64x512xf32, #tpu.memory_space<vmem>>)
    %dma_wait3A_95 = arith.constant 99 : i32
    %dma_wait3A_96 = arith.constant 0 : i32
    %dma_wait3A_97 = tpu.memref_slice %arg5[%dma_wait3A_95, %dma_wait3A_96] : memref<100x64xi32, #tpu.memory_space<vmem>> -> memref<1x64xi32, #tpu.memory_space<vmem>>
    %dma_wait3A_98 = tpu.memref_squeeze %dma_wait3A_97 : memref<1x64xi32, #tpu.memory_space<vmem>> -> memref<64xi32, #tpu.memory_space<vmem>>
    %dma_wait3A_99 = arith.constant 0 : i32
    %dma_wait3A_100 = arith.constant 0 : i32
    %dma_wait3A_101 = tpu.memref_slice %arg2[%dma_wait3A_99, %dma_wait3A_100] : memref<100000x512xf32, #tpu.memory_space<hbm>> -> memref<100000x512xf32, #tpu.memory_space<hbm>>
    tpu.wait_indirect_dma semaphore(%arg9 : memref<!tpu.dma_semaphore, #tpu.memory_space<semaphore_mem>>) src(%dma_wait3A_101 : memref<100000x512xf32, #tpu.memory_space<hbm>>) dst(%arg6 : memref<64x512xf32, #tpu.memory_space<vmem>>)
    %run_scoped3A = arith.constant 0 : i32
    "tpu.region"() ({
      %run_scoped3A_102 = tpu.sem_alloc : memref<!tpu.dma_semaphore, #tpu.memory_space<semaphore_mem>>
      %dma_start3A_103 = arith.constant 0 : i32
      %dma_start3A_104 = arith.constant 0 : i32
      %dma_start3A_105 = tpu.memref_slice %arg4[%add3A, %run_scoped3A, %dma_start3A_103, %dma_start3A_104] : memref<32x100x64x512xf32, #tpu.memory_space<hbm>> -> memref<1x1x64x512xf32, #tpu.memory_space<hbm>>
      %dma_start3A_106 = tpu.memref_squeeze %dma_start3A_105 : memref<1x1x64x512xf32, #tpu.memory_space<hbm>> -> memref<64x512xf32, #tpu.memory_space<hbm>>
      %dma_start3A_107 = arith.constant 0 : i32
      %dma_start3A_108 = arith.constant 0 : i32
      %dma_start3A_109 = tpu.memref_slice %arg4[%add3A, %run_scoped3A, %dma_start3A_107, %dma_start3A_108] : memref<32x100x64x512xf32, #tpu.memory_space<hbm>> -> memref<1x1x64x512xf32, #tpu.memory_space<hbm>>
      %dma_start3A_110 = tpu.memref_squeeze %dma_start3A_109 : memref<1x1x64x512xf32, #tpu.memory_space<hbm>> -> memref<64x512xf32, #tpu.memory_space<hbm>>
      tpu.enqueue_dma source(%arg6 : memref<64x512xf32, #tpu.memory_space<vmem>>) target(%dma_start3A_110 : memref<64x512xf32, #tpu.memory_space<hbm>>) target_semaphore(%run_scoped3A_102 : memref<!tpu.dma_semaphore, #tpu.memory_space<semaphore_mem>>)
      %dma_wait3A_111 = arith.constant 0 : i32
      %dma_wait3A_112 = arith.constant 0 : i32
      %dma_wait3A_113 = tpu.memref_slice %arg4[%add3A, %run_scoped3A, %dma_wait3A_111, %dma_wait3A_112] : memref<32x100x64x512xf32, #tpu.memory_space<hbm>> -> memref<1x1x64x512xf32, #tpu.memory_space<hbm>>
      %dma_wait3A_114 = tpu.memref_squeeze %dma_wait3A_113 : memref<1x1x64x512xf32, #tpu.memory_space<hbm>> -> memref<64x512xf32, #tpu.memory_space<hbm>>
      %dma_wait3A_115 = arith.constant 0 : i32
      %dma_wait3A_116 = arith.constant 0 : i32
      %dma_wait3A_117 = tpu.memref_slice %arg4[%add3A, %run_scoped3A, %dma_wait3A_115, %dma_wait3A_116] : memref<32x100x64x512xf32, #tpu.memory_space<hbm>> -> memref<1x1x64x512xf32, #tpu.memory_space<hbm>>
      %dma_wait3A_118 = tpu.memref_squeeze %dma_wait3A_117 : memref<1x1x64x512xf32, #tpu.memory_space<hbm>> -> memref<64x512xf32, #tpu.memory_space<hbm>>
      tpu.wait_dma2 semaphore(%run_scoped3A_102 : memref<!tpu.dma_semaphore, #tpu.memory_space<semaphore_mem>>) src(%arg6 : memref<64x512xf32, #tpu.memory_space<vmem>>) dst(%dma_wait3A_118 : memref<64x512xf32, #tpu.memory_space<hbm>>)
      tpu.yield
    }) : () -> ()
    return
  }
}

</mosaic_0001>

<sc_bundles>
// kernel: _embed.3.cloned.1.call-start
scs
__scs_entry_jumppad:
0x0: {  	(pc) =	sbr.rel $0x88, $3  }
0x1: {  	(tag) =	ssettag $0x0;
	lr =	simm.s32 $0x1  }
0x2: {  	[smem:$0x3F9F] =	sst lr;
	_ =	strace $0xD0000000  }
0x3: {  	_ = 	snop  }
0x4: {  	_ = 	snop  }
0x5: {  	_ = 	snop  }
0x6: {  	_ = 	snop  }
0x7: {  	_ = 	snop  }
__scs_overlays_trampoline_lowered:
0x8: {  	[smem:$0x3FAE] =	sst s0  }
0x9: {  	[smem:$0x3FAF] =	sst s1  }
0xa: {  	[smem:$0x3FB0] =	sst s2  }
0xb: {  	[smem:$0x3FB1] =	sst s3  }
0xc: {  	[smem:$0x3FB2] =	sst s4  }
0xd: {  	[smem:$0x3FB3] =	sst s5  }
0xe: {  	[smem:$0x3FB4] =	sst s6  }
0xf: {  	[smem:$0x3FB5] =	sst s7  }
0x10: {  	[smem:$0x3FB6] =	sst s8  }
0x11: {  	[smem:$0x3FB7] =	sst s9;
	s0 =	simm.s32 @!p0 $0x0  }
0x12: {  	s1 =	sld [smem:$0x3F9D];
	s0 =	simm.s32 @p0 $0x1  }
0x13: {  	[smem:$0x3FB8] =	sst s0;
	s0 =	simm.s32 @!p1 $0x0  }
0x14: {  	s2 =	sld [smem:$0x3F9C];
	s0 =	simm.s32 @p1 $0x1  }
0x15: {  	[smem:$0x3FB9] =	sst s0;
	s0 =	simm.s32 @!p2 $0x0  }
0x16: {  	s3 =	sld [smem:$0x3FDB];
	s0 =	simm.s32 @p2 $0x1  }
0x17: {  	s4 =	simm.s32 $0x1BF5;
	[smem:$0x3FBB] =	sst s0  }
0x18: {  	s0 =	sld [smem:$0x3F9E];
	_ =	swait.ge [sflag:s4], $0x0  }
0x19: {  	s7 =	sld [smem:$0x3F9F]  }
0x1a: {  	s8 =	sadd.s32 $0xFFFFE003, lr  }
0x1b: {  	s9 =	sadd.s32 $0xFFFFFEF7, lr;
	s5 =	simm.s32 $0xFFFFFFFF;
	p2 =	slt.u32 s8, $0xFFFFF086  }
0x1c: {  	p1 =	slt.u32 s9, $0xF7A;
	s5 =	simm.s32 @!p2 $0x0  }
0x1d: {  	s5 =	simm.s32 @p1 $0x1;
	p0 =	seq.s32 s7, s2  }
0x1e: {  	s7 =	smul.u32 @!p0 $0xF7A, s2;
	p2 =	seq.s32 @!p0 s5, $0x0  }
0x1f: {  	s9 =	smul.u32 $0xF7A, s1;
	s8 =	simm.s32 @!p0 $0x1BF5;
	p2 =	por !p2, p0  }
0x20: {  	[sflag:s8] =	ssyncset.s32 @!p0 $0xFFFFF086;
	s6 =	sadd.s32 @!p0 s3, s7;
	s7 =	simm.s32 @!p0 $0x108  }
0x21: {  	s3 =	sadd.s32 s3, s9;
	s6 =	sadd.s32 @!p0 $0x88, s6;
	s7 =	simm.s32 @p2 $0x1082  }
0x22: {  	[simem:s7], [sflag:s8] =	dma.local @!p0 [hbm:s6], $0xF7A  }
0x23: {  	s9 =	sor.u32 $0xD0000000, s2;
	s6 =	simm.s32 $0x108;
	_ =	swait.ge @!p0 [sflag:s8], $0x0  }
0x24: {  	s3 =	sadd.s32 $0x88, s3;
	s6 =	simm.s32 @!p1 $0x1082;
	[sflag:s4] =	ssyncset.s32 $0xFFFFF086  }
0x25: {  	[simem:s6], [sflag:s4] =	dma.local [hbm:s3], $0xF7A  }
0x26: {  	[smem:$0x3F9F] =	sst s1;
	(tag) =	ssettag s2;
	_ =	strace s9  }
0x27: {  	s1 =	sld [smem:$0x3FAF]  }
0x28: {  	s2 =	sld [smem:$0x3FB0]  }
0x29: {  	s4 =	sld [smem:$0x3FB2]  }
0x2a: {  	p0 =	seq.s32 s5, $0x0;
	s5 =	sld [smem:$0x3FB3]  }
0x2b: {  	s6 =	sld [smem:$0x3FB4]  }
0x2c: {  	s7 =	sld [smem:$0x3FB5]  }
0x2d: {  	s3 =	simm.s32 $0x108;
	s8 =	sld [smem:$0x3FB6]  }
0x2e: {  	s3 =	simm.s32 @!p0 $0x1082;
	s9 =	sld [smem:$0x3FB7]  }
0x2f: {  	lr =	sadd.s32 s0, s3;
	s0 =	sld [smem:$0x3FAE]  }
0x30: {  	s3 =	sld [smem:$0x3FB1]  }
0x31: {  	[smem:$0x3FBA] =	sst s10  }
0x32: {  	s10 =	sld [smem:$0x3FB8];
	_ =	sdelay $0x3  }
0x33: {  	p0 =	seq.s32 s10, $0x1;
	s10 =	sld [smem:$0x3FBA];
	_ =	sdelay $0x3  }
0x34: {  	[smem:$0x3FBA] =	sst s10  }
0x35: {  	s10 =	sld [smem:$0x3FB9];
	_ =	sdelay $0x3  }
0x36: {  	p1 =	seq.s32 s10, $0x1;
	s10 =	sld [smem:$0x3FBA];
	_ =	sdelay $0x3  }
0x37: {  	[smem:$0x3FBA] =	sst s10  }
0x38: {  	s10 =	sld [smem:$0x3FBB]  }
0x39: {  	_ = 	snop;
	(pc) =	sbr.ind lr, $3  }
0x3a: {  	_ = 	snop  }
0x3b: {  	_ = 	snop  }
0x3c: {  	p2 =	seq.s32 s10, $0x1;
	s10 =	sld [smem:$0x3FBA]  }
0x3d: {  	_ =	shalt  }
0x3e: {  	_ =	shalt  }
0x3f: {  	_ =	shalt  }
0x40: {  	_ =	shalt  }
0x41: {  	_ =	shalt  }
0x42: {  	_ =	shalt  }
0x43: {  	_ =	shalt  }
0x44: {  	_ =	shalt  }
0x45: {  	_ =	shalt  }
0x46: {  	_ =	shalt  }
0x47: {  	_ =	shalt  }
0x48: {  	_ =	shalt  }
0x49: {  	_ =	shalt  }
0x4a: {  	_ =	shalt  }
0x4b: {  	_ =	shalt  }
0x4c: {  	_ =	shalt  }
0x4d: {  	_ =	shalt  }
0x4e: {  	_ =	shalt  }
0x4f: {  	_ =	shalt  }
0x50: {  	_ =	shalt  }
0x51: {  	_ =	shalt  }
0x52: {  	_ =	shalt  }
0x53: {  	_ =	shalt  }
0x54: {  	_ =	shalt  }
0x55: {  	_ =	shalt  }
0x56: {  	_ =	shalt  }
0x57: {  	_ =	shalt  }
0x58: {  	_ =	shalt  }
0x59: {  	_ =	shalt  }
0x5a: {  	_ =	shalt  }
0x5b: {  	_ =	shalt  }
0x5c: {  	_ =	shalt  }
0x5d: {  	_ =	shalt  }
0x5e: {  	_ =	shalt  }
0x5f: {  	_ =	shalt  }
0x60: {  	_ =	shalt  }
0x61: {  	_ =	shalt  }
0x62: {  	_ =	shalt  }
0x63: {  	_ =	shalt  }
0x64: {  	_ =	shalt  }
0x65: {  	_ =	shalt  }
0x66: {  	_ =	shalt  }
0x67: {  	_ =	shalt  }
0x68: {  	_ =	shalt  }
0x69: {  	_ =	shalt  }
0x6a: {  	_ =	shalt  }
0x6b: {  	_ =	shalt  }
0x6c: {  	_ =	shalt  }
0x6d: {  	_ =	shalt  }
0x6e: {  	_ =	shalt  }
0x6f: {  	_ =	shalt  }
0x70: {  	_ =	shalt  }
0x71: {  	_ =	shalt  }
0x72: {  	_ =	shalt  }
0x73: {  	_ =	shalt  }
0x74: {  	_ =	shalt  }
0x75: {  	_ =	shalt  }
0x76: {  	_ =	shalt  }
0x77: {  	_ =	shalt  }
0x78: {  	_ =	shalt  }
0x79: {  	_ =	shalt  }
0x7a: {  	_ =	shalt  }
0x7b: {  	_ =	shalt  }
0x7c: {  	_ =	shalt  }
0x7d: {  	_ =	shalt  }
0x7e: {  	_ =	shalt  }
0x7f: {  	_ =	shalt  }
0x80: {  	_ =	shalt  }
0x81: {  	_ =	shalt  }
0x82: {  	_ =	shalt  }
0x83: {  	_ =	shalt  }
0x84: {  	_ =	shalt  }
0x85: {  	_ =	shalt  }
0x86: {  	_ =	shalt  }
0x87: {  	_ =	shalt  }
.Lfunc_end0:
.L_simem_size_0:
called_computation_lowered:
.L_overlay_start_0:
0x88: {  	s2 =	sld [smem:$0x3FD9]  }
0x89: {  	s3 =	sld [smem:$0x3FFE];
	_ =	sdelay $0x1  }
0x8a: {  	s1 =	srdreg.scid  }
0x8b: {  	s0 =	sand.u32 $0x1, s1  }
0x8c: {  	s17 =	sshll.u32 s0, $0xA;
	s2 =	sadd.s32 s3, s2  }
0x8d: {  	s2 =	sadd.s32 s2, s17  }
0x8e: {  	[smem:$0x3FC6] =	sst s2  }
0x8f: {  	_ = 	snop  }
0x90: {  	s2 =	sld [smem:$0x3FC8]  }
0x91: {  	s18 =	sld [smem:$0x3FD0];
	(tm) =	ssettm $0x1  }
0x92: {  	s4 =	sld [smem:$0x3FFB];
	_ =	sdelay $0x3  }
0x93: {  	_ =	strace s4  }
0x94: {  	s4 =	sld [smem:$0x3FFC];
	_ =	sdelay $0x3  }
0x95: {  	_ =	strace s4  }
0x96: {  	s4 =	sld [smem:$0x3FFD];
	_ =	sdelay $0x3  }
0x97: {  	_ =	strace s4  }
0x98: {  	_ =	strace $0x8FFFFFFF  }
0x99: {  	s19 =	sld [smem:$0x3FDB];
	_ =	sdelay $0x1  }
0x9a: {  	s5 =	simm.s32 $_scs_section_size  }
0x9b: {  	s6 =	simm.s32 $_size__tile_overlayer_lowered;
	s7 =	simm.s32 $_tile_overlayer_lowered  }
0x9c: {  	s22 =	simm.s32 $0x1BFF;
	s21 =	sshll.u32 s7, $0x1;
	s4 =	sadd.s32 s5, s19  }
0x9d: {  	s8 =	simm.s32 $0x0;
	s20 =	sshll.u32 s6, $0x1;
	s6 =	sadd.s32 s21, s4  }
0x9e: {  	[timem:s8], [sflag:s22] =	dma.local [hbm:s6], s20  }
0x9f: {  	_ =	swait.ge [sflag:s22], s20  }
0xa0: {  	s5 =	ssub.s32 $0x0, s20;
	[sflag:s22] =	ssyncset.done $0x0  }
0xa1: {  	[sflag:s22] =	ssyncadd.s32 s5;
	_ =	sdelay $0x1  }
0xa2: {  	s23 =	simm.s32 $0x1B8B  }
0xa3: {  	_ =	swait.ge [sflag:s23], $0x1  }
0xa4: {  	[sflag:s23] =	ssyncset.done $0x0  }
0xa5: {  	s25 =	simm.s32 $0x1B8E;
	s24 =	sld [smem:$0x3FFE];
	[sflag:s23] =	ssyncadd.s32 $0xFFFFFFFF  }
0xa6: {  	s26 =	simm.s32 $execute0_lowered;
	[smem:$0x3FD2] =	sst s25  }
0xa7: {  	s6 =	sshll.u32 s26, $0x1;
	_ =	strace $0x80000046;
	[dreg:$0x1] =	wrdreg $0xFFFFFFFF  }
0xa8: {  	s28 =	simm.s32 $_size_execute0_lowered;
	s4 =	sadd.s32 s4, s6;
	[dreg:$0x0] =	wrdreg $0x0  }
0xa9: {  	s6 =	sshll.u32 s28, $0x1;
	[dreg:$0x2] =	wrdreg s4  }
0xaa: {  	[dreg:$0x3] =	wrdreg s6  }
0xab: {  	[dreg:$0x4] =	wrdreg $0xC0  }
0xac: {  	_ =	task [dreg:s8], $0x5FFFF  }
0xad: {  	[dreg:$0x1] =	wrdreg $0xFFFFFFFF  }
0xae: {  	[dreg:$0x0] =	wrdreg $0x60  }
0xaf: {  	[dreg:$0x2] =	wrdreg s2  }
0xb0: {  	[dreg:$0x3] =	wrdreg s24  }
0xb1: {  	[dreg:$0x4] =	wrdreg s18  }
0xb2: {  	[dreg:$0x5] =	wrdreg $0x9  }
0xb3: {  	_ =	task.clear_ibuf [dreg:s8], $0x6FFFF;
	_ =	strace $0x90000046  }
0xb4: {  	s29 =	simm.s32 $0x9;
	_ =	strace $0x80000048  }
0xb5: {  	_ =	swait.ge [sflag:s29], $0x1  }
0xb6: {  	[sflag:s29] =	ssyncadd.s32 $0xFFFFFFFF  }
0xb7: {  	_ =	strace $0x90000048  }
0xb8: {  	_ =	sfence  }
0xb9: {  	s30 =	sld [smem:$0x0];
	_ =	sdelay $0x2  }
0xba: {  	s31 =	sshll.u32 s1, $0xD;
	s1 =	sshrl.u32 s1, $0x2  }
0xbb: {  	s3 =	sand.u32 $0x4000, s31;
	s1 =	sadd.s32 s1, s30  }
0xbc: {  	s0 =	sor.u32 s3, s0;
	s1 =	sshll.u32 s1, $0x11  }
0xbd: {  	s0 =	sor.u32 s1, s0  }
0xbe: {  	s0 =	sadd.s32 $0x8F2B, s0  }
0xbf: {  	[sflag:s0] =	ssyncadd.remote.s32 $0x1  }
0xc0: {  	_ =	sfence.sel $0xFFFF  }
0xc1: {  	[dreg:$0x0] =	wrdreg $0xFFFFFFFF;
	(pc) =	sbr.abs _section_cstart, $3  }
0xc2: {  	[dreg:$0x1] =	wrdreg $0xFFFFFFFF  }
0xc3: {  	_ =	task.clear_ibuf [dreg:s8], $0x2FFFF;
	_ =	strace $0x9FFFFFFF  }
0xc4: {  	(tm) =	ssettm $0x7FFFFFFF  }
0xc5: {  	_ =	shalt  }
tec
execute0_lowered:
.L_overlay_start_1:
0x0: {  	(tag) =	ssettag $0x1  }
0x1: {  	s1 =	rddreg [dreg:$0x0]  }
0x2: {  	s0 =	rddreg [dreg:$0x1]  }
0x3: {  	s2 =	srdreg.scid;
	s3 =	stileid.u32  }
0x4: {  	s4 =	rddreg [dreg:$0x2];
	s26 =	simm.s32 $0x4;
	s10 =	simm.s32 $0xDC00  }
0x5: {  	s11 =	simm.s32 $0xEC00;
	s12 =	simm.s32 $0xF400;
	s13 =	simm.s32 $0xFC00  }
0x6: {  	s14 =	simm.s32 $0x10400;
	s15 =	simm.s32 $0x10C00;
	s16 =	simm.s32 $0x11400  }
0x7: {  	s17 =	simm.s32 $0x11C00;
	s21 =	simm.s32 $0x12400;
	s22 =	simm.s32 $0x12C00  }
0x8: {  	s18 =	simm.s32 $0x1;
	s25 =	simm.s32 $0x2;
	s19 =	simm.s32 $0x3  }
0x9: {  	s9 =	simm.s32 $0x0;
	s2 =	sand.u32 $0x1, s2;
	s3 =	sshll.u32 s3, $0x1  }
0xa: {  	s29 =	simm.s32 $0x4C00;
	s5 =	sor.u32 s2, s3;
	s3 =	simm.s32 $0x0  }
0xb: {  	s2 =	ssub.s32 $0x2, s2;
	s6 =	smul.u32 $0x680, s5;
	[smem:$0x7FF] =	sst s3  }
0xc: {  	s7 =	sshrl.u32 s2, $0x1;
	s8 =	smul.u32 $0x64000, s5;
	s5 =	sadd.s32 $0x100, s1  }
0xd: {  	_ =	strace $0x80000047;
	s2 =	ssub.s32 s2, s7;
	s7 =	simm.s32 $0xD400  }
0xe: {  	s0 =	sadd.s32 s6, s0;
	s30 =	sadd.s32 s4, s8;
	s31 =	smax.u32 s2, $0x1  }
0xf: {  	v2 =	vlaneseq.u32;
	s2 =	simm.s32 $0xBC00;
	s4 =	simm.s32 $0xC400;
	[dreg:$0x5] =	wrdreg s30  }
0x10: {  	vm0 =	vmmov $0xffff;
	v1 =	vshrl.u32 v2, $0x3;
	s6 =	simm.s32 $0xCC00;
	s0 =	sadd.s32 $0x400, s0;
	[dreg:$0x6] =	wrdreg s31  }
0x11: {  	v0 =	vand.u32 $0x7, v2;
	v2 =	vor.u32 $0x8, v2;
	v1 =	vmul.u32 $0x8, v1;
	s8 =	simm.s32 $0xE400;
	[dreg:$0x4] =	wrdreg s0;
	s0 =	simm.s32 $0xB400  }
.LBB2_1:
0x12: {  	[dreg:$0x7] =	wrdreg s9  }
0x13: {  	s20 =	rddreg [dreg:$0x4]  }
0x14: {  	[tilespmem:s3], [sflag:$0x4] =	stream.linear.gather [hbm4b:s20+s3], $0x3200, $0x38;
	[tilespmem:$0x1B400] =	vst v63  }
0x15: {  	_ =	swait.ge [sflag:s26], $0x3200  }
0x16: {  	[sflag:s26] =	ssyncset.done $0x0  }
0x17: {  	[sflag:s26] =	ssyncadd.s32 $0xFFFFCE00  }
0x18: {  	v3 =	vld [tilespmem:$0x0];
	_ =	sdelay $0x4  }
0x19: {  	v4 =	vshll.u32 v3, $0x2  }
0x1a: {  	v3 =	vand.u32 $0x7, v3;
	v4 =	vand.u32 $0xFFFFFFE0, v4  }
0x1b: {  	v3 =	vor.u32 v3, v4  }
0x1c: {  	v4 =	vperm.xlane v3, v0;
	_ =	sdelay $0x1  }
0x1d: {  	v4 =	vadd.s32 v1, v4;
	_ =	sdelay $0x1  }
0x1e: {  	v3 =	vperm.xlane v3, v2;
	_ =	sdelay $0x1  }
0x1f: {  	s9 =	simm.s32 $0x3400;
	v3 =	vadd.s32 v1, v3  }
0x20: {  	[tilespmem:s9], [sflag:$0x1] =	stream.indirect_vreg.gather [hbm4b:s1+s3], $0x80, v4, vm0, $0xb8;
	[tilespmem:$0x1B400] =	vst v63  }
0x21: {  	s20 =	simm.s32 $0x3C00  }
0x22: {  	[tilespmem:s20], [sflag:$0x1] =	stream.indirect_vreg.gather [hbm4b:s5+s3], $0x80, v4, vm0, $0xb8;
	[tilespmem:$0x1B400] =	vst v63  }
0x23: {  	s26 =	simm.s32 $0x4400  }
0x24: {  	[tilespmem:s26], [sflag:$0x1] =	stream.indirect_vreg.gather [hbm4b:s1+s3], $0x80, v3, vm0, $0xb8;
	[tilespmem:$0x1B400] =	vst v63  }
0x25: {  	s23 =	simm.s32 $0x4C00  }
0x26: {  	[tilespmem:s23], [sflag:$0x1] =	stream.indirect_vreg.gather [hbm4b:s5+s3], $0x80, v3, vm0, $0xb8;
	[tilespmem:$0x1B400] =	vst v63  }
0x27: {  	v3 =	vld [tilespmem:$0x10];
	_ =	sdelay $0x4  }
0x28: {  	v45 =	vshll.u32 v3, $0x2  }
0x29: {  	v3 =	vand.u32 $0x7, v3;
	v4 =	vand.u32 $0xFFFFFFE0, v45  }
0x2a: {  	v3 =	vor.u32 v3, v4  }
0x2b: {  	v4 =	vperm.xlane v3, v0;
	_ =	sdelay $0x1  }
0x2c: {  	v4 =	vadd.s32 v1, v4;
	_ =	sdelay $0x1  }
0x2d: {  	v3 =	vperm.xlane v3, v2;
	_ =	sdelay $0x1  }
0x2e: {  	s24 =	simm.s32 $0x5400;
	v3 =	vadd.s32 v1, v3  }
0x2f: {  	[tilespmem:s24], [sflag:$0x1] =	stream.indirect_vreg.gather [hbm4b:s1+s3], $0x80, v4, vm0, $0xb8;
	[tilespmem:$0x1B400] =	vst v63  }
0x30: {  	s30 =	simm.s32 $0x5C00  }
0x31: {  	[tilespmem:s30], [sflag:$0x1] =	stream.indirect_vreg.gather [hbm4b:s5+s3], $0x80, v4, vm0, $0xb8;
	[tilespmem:$0x1B400] =	vst v63  }
0x32: {  	s31 =	simm.s32 $0x6400  }
0x33: {  	[tilespmem:s31], [sflag:$0x1] =	stream.indirect_vreg.gather [hbm4b:s1+s3], $0x80, v3, vm0, $0xb8;
	[tilespmem:$0x1B400] =	vst v63  }
0x34: {  	s28 =	simm.s32 $0x6C00  }
0x35: {  	[tilespmem:s28], [sflag:$0x1] =	stream.indirect_vreg.gather [hbm4b:s5+s3], $0x80, v3, vm0, $0xb8;
	[tilespmem:$0x1B400] =	vst v63  }
0x36: {  	v3 =	vld [tilespmem:$0x20];
	_ =	sdelay $0x4  }
0x37: {  	v46 =	vshll.u32 v3, $0x2  }
0x38: {  	v3 =	vand.u32 $0x7, v3;
	v4 =	vand.u32 $0xFFFFFFE0, v46  }
0x39: {  	v3 =	vor.u32 v3, v4  }
0x3a: {  	v4 =	vperm.xlane v3, v0;
	_ =	sdelay $0x1  }
0x3b: {  	v4 =	vadd.s32 v1, v4;
	_ =	sdelay $0x1  }
0x3c: {  	v3 =	vperm.xlane v3, v2;
	_ =	sdelay $0x1  }
0x3d: {  	s28 =	simm.s32 $0x7400;
	v3 =	vadd.s32 v1, v3  }
0x3e: {  	[tilespmem:s28], [sflag:$0x1] =	stream.indirect_vreg.gather [hbm4b:s1+s3], $0x80, v4, vm0, $0xb8;
	[tilespmem:$0x1B400] =	vst v63  }
0x3f: {  	s28 =	simm.s32 $0x7C00  }
0x40: {  	[tilespmem:s28], [sflag:$0x1] =	stream.indirect_vreg.gather [hbm4b:s5+s3], $0x80, v4, vm0, $0xb8;
	[tilespmem:$0x1B400] =	vst v63  }
0x41: {  	s28 =	simm.s32 $0x8400  }
0x42: {  	[tilespmem:s28], [sflag:$0x1] =	stream.indirect_vreg.gather [hbm4b:s1+s3], $0x80, v3, vm0, $0xb8;
	[tilespmem:$0x1B400] =	vst v63  }
0x43: {  	s28 =	simm.s32 $0x8C00  }
0x44: {  	[tilespmem:s28], [sflag:$0x1] =	stream.indirect_vreg.gather [hbm4b:s5+s3], $0x80, v3, vm0, $0xb8;
	[tilespmem:$0x1B400] =	vst v63  }
0x45: {  	v3 =	vld [tilespmem:$0x30];
	_ =	sdelay $0x4  }
0x46: {  	v47 =	vshll.u32 v3, $0x2  }
0x47: {  	v3 =	vand.u32 $0x7, v3;
	v4 =	vand.u32 $0xFFFFFFE0, v47  }
0x48: {  	v3 =	vor.u32 v3, v4  }
0x49: {  	v4 =	vperm.xlane v3, v0;
	_ =	sdelay $0x1  }
0x4a: {  	v4 =	vadd.s32 v1, v4;
	_ =	sdelay $0x1  }
0x4b: {  	v3 =	vperm.xlane v3, v2;
	_ =	sdelay $0x1  }
0x4c: {  	s28 =	simm.s32 $0x9400;
	v3 =	vadd.s32 v1, v3  }
0x4d: {  	[tilespmem:s28], [sflag:$0x1] =	stream.indirect_vreg.gather [hbm4b:s1+s3], $0x80, v4, vm0, $0xb8;
	[tilespmem:$0x1B400] =	vst v63  }
0x4e: {  	s28 =	simm.s32 $0x9C00  }
0x4f: {  	[tilespmem:s28], [sflag:$0x1] =	stream.indirect_vreg.gather [hbm4b:s5+s3], $0x80, v4, vm0, $0xb8;
	[tilespmem:$0x1B400] =	vst v63  }
0x50: {  	s28 =	simm.s32 $0xA400  }
0x51: {  	[tilespmem:s28], [sflag:$0x1] =	stream.indirect_vreg.gather [hbm4b:s1+s3], $0x80, v3, vm0, $0xb8;
	[tilespmem:$0x1B400] =	vst v63  }
0x52: {  	s28 =	simm.s32 $0xAC00  }
0x53: {  	[tilespmem:s28], [sflag:$0x1] =	stream.indirect_vreg.gather [hbm4b:s5+s3], $0x80, v3, vm0, $0xb8;
	[tilespmem:$0x1B400] =	vst v63  }
0x54: {  	v3 =	vld [tilespmem:$0x80];
	_ =	sdelay $0x4  }
0x55: {  	v48 =	vshll.u32 v3, $0x2  }
0x56: {  	v3 =	vand.u32 $0x7, v3;
	v4 =	vand.u32 $0xFFFFFFE0, v48  }
0x57: {  	v3 =	vor.u32 v3, v4  }
0x58: {  	v4 =	vperm.xlane v3, v0;
	_ =	sdelay $0x1  }
0x59: {  	v4 =	vadd.s32 v1, v4;
	_ =	sdelay $0x1  }
0x5a: {  	v3 =	vperm.xlane v3, v2;
	_ =	sdelay $0x1  }
0x5b: {  	v3 =	vadd.s32 v1, v3  }
0x5c: {  	[tilespmem:s0], [sflag:$0x2] =	stream.indirect_vreg.gather [hbm4b:s1+s3], $0x80, v4, vm0, $0xb8;
	[tilespmem:$0x1B400] =	vst v63  }
0x5d: {  	_ = 	snop  }
0x5e: {  	[tilespmem:s2], [sflag:$0x2] =	stream.indirect_vreg.gather [hbm4b:s5+s3], $0x80, v4, vm0, $0xb8;
	[tilespmem:$0x1B400] =	vst v63  }
0x5f: {  	_ = 	snop  }
0x60: {  	[tilespmem:s4], [sflag:$0x2] =	stream.indirect_vreg.gather [hbm4b:s1+s3], $0x80, v3, vm0, $0xb8;
	[tilespmem:$0x1B400] =	vst v63  }
0x61: {  	_ = 	snop  }
0x62: {  	[tilespmem:s6], [sflag:$0x2] =	stream.indirect_vreg.gather [hbm4b:s5+s3], $0x80, v3, vm0, $0xb8;
	[tilespmem:$0x1B400] =	vst v63  }
0x63: {  	v3 =	vld [tilespmem:$0x90];
	_ =	sdelay $0x4  }
0x64: {  	v49 =	vshll.u32 v3, $0x2  }
0x65: {  	v3 =	vand.u32 $0x7, v3;
	v4 =	vand.u32 $0xFFFFFFE0, v49  }
0x66: {  	v3 =	vor.u32 v3, v4  }
0x67: {  	v4 =	vperm.xlane v3, v0;
	_ =	sdelay $0x1  }
0x68: {  	v4 =	vadd.s32 v1, v4;
	_ =	sdelay $0x1  }
0x69: {  	v3 =	vperm.xlane v3, v2;
	_ =	sdelay $0x1  }
0x6a: {  	v3 =	vadd.s32 v1, v3  }
0x6b: {  	[tilespmem:s7], [sflag:$0x2] =	stream.indirect_vreg.gather [hbm4b:s1+s3], $0x80, v4, vm0, $0xb8;
	[tilespmem:$0x1B400] =	vst v63  }
0x6c: {  	_ = 	snop  }
0x6d: {  	[tilespmem:s10], [sflag:$0x2] =	stream.indirect_vreg.gather [hbm4b:s5+s3], $0x80, v4, vm0, $0xb8;
	[tilespmem:$0x1B400] =	vst v63  }
0x6e: {  	_ = 	snop  }
0x6f: {  	[tilespmem:s8], [sflag:$0x2] =	stream.indirect_vreg.gather [hbm4b:s1+s3], $0x80, v3, vm0, $0xb8;
	[tilespmem:$0x1B400] =	vst v63  }
0x70: {  	_ = 	snop  }
0x71: {  	[tilespmem:s11], [sflag:$0x2] =	stream.indirect_vreg.gather [hbm4b:s5+s3], $0x80, v3, vm0, $0xb8;
	[tilespmem:$0x1B400] =	vst v63  }
0x72: {  	v3 =	vld [tilespmem:$0xA0];
	_ =	sdelay $0x4  }
0x73: {  	v50 =	vshll.u32 v3, $0x2  }
0x74: {  	v3 =	vand.u32 $0x7, v3;
	v4 =	vand.u32 $0xFFFFFFE0, v50  }
0x75: {  	v3 =	vor.u32 v3, v4  }
0x76: {  	v4 =	vperm.xlane v3, v0;
	_ =	sdelay $0x1  }
0x77: {  	v4 =	vadd.s32 v1, v4;
	_ =	sdelay $0x1  }
0x78: {  	v3 =	vperm.xlane v3, v2;
	_ =	sdelay $0x1  }
0x79: {  	v3 =	vadd.s32 v1, v3  }
0x7a: {  	[tilespmem:s12], [sflag:$0x2] =	stream.indirect_vreg.gather [hbm4b:s1+s3], $0x80, v4, vm0, $0xb8;
	[tilespmem:$0x1B400] =	vst v63  }
0x7b: {  	_ = 	snop  }
0x7c: {  	[tilespmem:s13], [sflag:$0x2] =	stream.indirect_vreg.gather [hbm4b:s5+s3], $0x80, v4, vm0, $0xb8;
	[tilespmem:$0x1B400] =	vst v63  }
0x7d: {  	_ = 	snop  }
0x7e: {  	[tilespmem:s14], [sflag:$0x2] =	stream.indirect_vreg.gather [hbm4b:s1+s3], $0x80, v3, vm0, $0xb8;
	[tilespmem:$0x1B400] =	vst v63  }
0x7f: {  	_ = 	snop  }
0x80: {  	[tilespmem:s15], [sflag:$0x2] =	stream.indirect_vreg.gather [hbm4b:s5+s3], $0x80, v3, vm0, $0xb8;
	[tilespmem:$0x1B400] =	vst v63  }
0x81: {  	v3 =	vld [tilespmem:$0xB0];
	_ =	sdelay $0x4  }
0x82: {  	v51 =	vshll.u32 v3, $0x2  }
0x83: {  	v3 =	vand.u32 $0x7, v3;
	v4 =	vand.u32 $0xFFFFFFE0, v51  }
0x84: {  	v3 =	vor.u32 v3, v4  }
0x85: {  	v4 =	vperm.xlane v3, v0;
	_ =	sdelay $0x1  }
0x86: {  	v4 =	vadd.s32 v1, v4;
	_ =	sdelay $0x1  }
0x87: {  	v3 =	vperm.xlane v3, v2;
	_ =	sdelay $0x1  }
0x88: {  	v3 =	vadd.s32 v1, v3  }
0x89: {  	[tilespmem:s16], [sflag:$0x2] =	stream.indirect_vreg.gather [hbm4b:s1+s3], $0x80, v4, vm0, $0xb8;
	[tilespmem:$0x1B400] =	vst v63  }
0x8a: {  	_ = 	snop  }
0x8b: {  	[tilespmem:s17], [sflag:$0x2] =	stream.indirect_vreg.gather [hbm4b:s5+s3], $0x80, v4, vm0, $0xb8;
	[tilespmem:$0x1B400] =	vst v63  }
0x8c: {  	_ = 	snop  }
0x8d: {  	[tilespmem:s21], [sflag:$0x2] =	stream.indirect_vreg.gather [hbm4b:s1+s3], $0x80, v3, vm0, $0xb8;
	[tilespmem:$0x1B400] =	vst v63  }
0x8e: {  	_ = 	snop  }
0x8f: {  	[tilespmem:s22], [sflag:$0x2] =	stream.indirect_vreg.gather [hbm4b:s5+s3], $0x80, v3, vm0, $0xb8;
	[tilespmem:$0x1B400] =	vst v63  }
0x90: {  	v3 =	vld [tilespmem:$0x100];
	_ =	sdelay $0x4  }
0x91: {  	v52 =	vshll.u32 v3, $0x2  }
0x92: {  	v3 =	vand.u32 $0x7, v3;
	v4 =	vand.u32 $0xFFFFFFE0, v52  }
0x93: {  	v3 =	vor.u32 v3, v4  }
0x94: {  	v4 =	vperm.xlane v3, v0;
	_ =	sdelay $0x1  }
0x95: {  	v4 =	vadd.s32 v1, v4;
	_ =	sdelay $0x1  }
0x96: {  	v3 =	vperm.xlane v3, v2;
	_ =	sdelay $0x1  }
0x97: {  	s7 =	simm.s32 $0x13400;
	v3 =	vadd.s32 v1, v3  }
0x98: {  	[tilespmem:s7], [sflag:$0x3] =	stream.indirect_vreg.gather [hbm4b:s1+s3], $0x80, v4, vm0, $0xb8;
	[tilespmem:$0x1B400] =	vst v63  }
0x99: {  	s8 =	simm.s32 $0x13C00  }
0x9a: {  	[tilespmem:s8], [sflag:$0x3] =	stream.indirect_vreg.gather [hbm4b:s5+s3], $0x80, v4, vm0, $0xb8;
	[tilespmem:$0x1B400] =	vst v63  }
0x9b: {  	s10 =	simm.s32 $0x14400  }
0x9c: {  	[tilespmem:s10], [sflag:$0x3] =	stream.indirect_vreg.gather [hbm4b:s1+s3], $0x80, v3, vm0, $0xb8;
	[tilespmem:$0x1B400] =	vst v63  }
0x9d: {  	s11 =	simm.s32 $0x14C00  }
0x9e: {  	[tilespmem:s11], [sflag:$0x3] =	stream.indirect_vreg.gather [hbm4b:s5+s3], $0x80, v3, vm0, $0xb8;
	[tilespmem:$0x1B400] =	vst v63  }
0x9f: {  	v3 =	vld [tilespmem:$0x110];
	_ =	sdelay $0x4  }
0xa0: {  	v53 =	vshll.u32 v3, $0x2  }
0xa1: {  	v3 =	vand.u32 $0x7, v3;
	v4 =	vand.u32 $0xFFFFFFE0, v53  }
0xa2: {  	v3 =	vor.u32 v3, v4  }
0xa3: {  	v4 =	vperm.xlane v3, v0;
	_ =	sdelay $0x1  }
0xa4: {  	v4 =	vadd.s32 v1, v4;
	_ =	sdelay $0x1  }
0xa5: {  	v3 =	vperm.xlane v3, v2;
	_ =	sdelay $0x1  }
0xa6: {  	s12 =	simm.s32 $0x15400;
	v3 =	vadd.s32 v1, v3  }
0xa7: {  	[tilespmem:s12], [sflag:$0x3] =	stream.indirect_vreg.gather [hbm4b:s1+s3], $0x80, v4, vm0, $0xb8;
	[tilespmem:$0x1B400] =	vst v63  }
0xa8: {  	s13 =	simm.s32 $0x15C00  }
0xa9: {  	[tilespmem:s13], [sflag:$0x3] =	stream.indirect_vreg.gather [hbm4b:s5+s3], $0x80, v4, vm0, $0xb8;
	[tilespmem:$0x1B400] =	vst v63  }
0xaa: {  	s14 =	simm.s32 $0x16400  }
0xab: {  	[tilespmem:s14], [sflag:$0x3] =	stream.indirect_vreg.gather [hbm4b:s1+s3], $0x80, v3, vm0, $0xb8;
	[tilespmem:$0x1B400] =	vst v63  }
0xac: {  	s15 =	simm.s32 $0x16C00  }
0xad: {  	[tilespmem:s15], [sflag:$0x3] =	stream.indirect_vreg.gather [hbm4b:s5+s3], $0x80, v3, vm0, $0xb8;
	[tilespmem:$0x1B400] =	vst v63  }
0xae: {  	v3 =	vld [tilespmem:$0x120];
	_ =	sdelay $0x4  }
0xaf: {  	v54 =	vshll.u32 v3, $0x2  }
0xb0: {  	v3 =	vand.u32 $0x7, v3;
	v4 =	vand.u32 $0xFFFFFFE0, v54  }
0xb1: {  	v3 =	vor.u32 v3, v4  }
0xb2: {  	v4 =	vperm.xlane v3, v0;
	_ =	sdelay $0x1  }
0xb3: {  	v4 =	vadd.s32 v1, v4;
	_ =	sdelay $0x1  }
0xb4: {  	v3 =	vperm.xlane v3, v2;
	_ =	sdelay $0x1  }
0xb5: {  	s16 =	simm.s32 $0x17400;
	v3 =	vadd.s32 v1, v3  }
0xb6: {  	[tilespmem:s16], [sflag:$0x3] =	stream.indirect_vreg.gather [hbm4b:s1+s3], $0x80, v4, vm0, $0xb8;
	[tilespmem:$0x1B400] =	vst v63  }
0xb7: {  	s17 =	simm.s32 $0x17C00  }
0xb8: {  	[tilespmem:s17], [sflag:$0x3] =	stream.indirect_vreg.gather [hbm4b:s5+s3], $0x80, v4, vm0, $0xb8;
	[tilespmem:$0x1B400] =	vst v63  }
0xb9: {  	s21 =	simm.s32 $0x18400  }
0xba: {  	[tilespmem:s21], [sflag:$0x3] =	stream.indirect_vreg.gather [hbm4b:s1+s3], $0x80, v3, vm0, $0xb8;
	[tilespmem:$0x1B400] =	vst v63  }
0xbb: {  	s22 =	simm.s32 $0x18C00  }
0xbc: {  	[tilespmem:s22], [sflag:$0x3] =	stream.indirect_vreg.gather [hbm4b:s5+s3], $0x80, v3, vm0, $0xb8;
	[tilespmem:$0x1B400] =	vst v63  }
0xbd: {  	v3 =	vld [tilespmem:$0x130];
	_ =	sdelay $0x4  }
0xbe: {  	v55 =	vshll.u32 v3, $0x2  }
0xbf: {  	v3 =	vand.u32 $0x7, v3;
	v4 =	vand.u32 $0xFFFFFFE0, v55  }
0xc0: {  	v3 =	vor.u32 v3, v4  }
0xc1: {  	v4 =	vperm.xlane v3, v0;
	_ =	sdelay $0x1  }
0xc2: {  	v4 =	vadd.s32 v1, v4;
	_ =	sdelay $0x1  }
0xc3: {  	v3 =	vperm.xlane v3, v2;
	_ =	sdelay $0x1  }
0xc4: {  	s2 =	simm.s32 $0x19400;
	v3 =	vadd.s32 v1, v3  }
0xc5: {  	[tilespmem:s2], [sflag:$0x3] =	stream.indirect_vreg.gather [hbm4b:s1+s3], $0x80, v4, vm0, $0xb8;
	[tilespmem:$0x1B400] =	vst v63  }
0xc6: {  	s4 =	simm.s32 $0x19C00  }
0xc7: {  	[tilespmem:s4], [sflag:$0x3] =	stream.indirect_vreg.gather [hbm4b:s5+s3], $0x80, v4, vm0, $0xb8;
	[tilespmem:$0x1B400] =	vst v63  }
0xc8: {  	s6 =	simm.s32 $0x1A400  }
0xc9: {  	[tilespmem:s6], [sflag:$0x3] =	stream.indirect_vreg.gather [hbm4b:s1+s3], $0x80, v3, vm0, $0xb8;
	[tilespmem:$0x1B400] =	vst v63  }
0xca: {  	s7 =	simm.s32 $0x1AC00  }
0xcb: {  	[tilespmem:s7], [sflag:$0x3] =	stream.indirect_vreg.gather [hbm4b:s5+s3], $0x80, v3, vm0, $0xb8;
	[tilespmem:$0x1B400] =	vst v63  }
0xcc: {  	_ =	swait.ge [sflag:s18], $0x8000  }
0xcd: {  	[sflag:s18] =	ssyncset.done $0x0  }
0xce: {  	[sflag:s18] =	ssyncadd.s32 $0xFFFF8000  }
0xcf: {  	v3 =	vld [tilespmem:$0x180];
	_ =	sdelay $0x4  }
0xd0: {  	v56 =	vshll.u32 v3, $0x2  }
0xd1: {  	v3 =	vand.u32 $0x7, v3;
	v4 =	vand.u32 $0xFFFFFFE0, v56  }
0xd2: {  	v3 =	vor.u32 v3, v4  }
0xd3: {  	v4 =	vperm.xlane v3, v0;
	_ =	sdelay $0x1  }
0xd4: {  	v4 =	vadd.s32 v1, v4;
	_ =	sdelay $0x1  }
0xd5: {  	v3 =	vperm.xlane v3, v2;
	_ =	sdelay $0x1  }
0xd6: {  	v3 =	vadd.s32 v1, v3  }
0xd7: {  	[tilespmem:s9], [sflag:$0x1] =	stream.indirect_vreg.gather [hbm4b:s1+s3], $0x80, v4, vm0, $0xb8;
	[tilespmem:$0x1B400] =	vst v63  }
0xd8: {  	_ = 	snop  }
0xd9: {  	[tilespmem:s20], [sflag:$0x1] =	stream.indirect_vreg.gather [hbm4b:s5+s3], $0x80, v4, vm0, $0xb8;
	[tilespmem:$0x1B400] =	vst v63  }
0xda: {  	_ = 	snop  }
0xdb: {  	[tilespmem:s26], [sflag:$0x1] =	stream.indirect_vreg.gather [hbm4b:s1+s3], $0x80, v3, vm0, $0xb8;
	[tilespmem:$0x1B400] =	vst v63  }
0xdc: {  	_ = 	snop  }
0xdd: {  	[tilespmem:s23], [sflag:$0x1] =	stream.indirect_vreg.gather [hbm4b:s5+s3], $0x80, v3, vm0, $0xb8;
	[tilespmem:$0x1B400] =	vst v63  }
0xde: {  	v3 =	vld [tilespmem:$0x190];
	_ =	sdelay $0x4  }
0xdf: {  	v57 =	vshll.u32 v3, $0x2  }
0xe0: {  	v3 =	vand.u32 $0x7, v3;
	v4 =	vand.u32 $0xFFFFFFE0, v57  }
0xe1: {  	v3 =	vor.u32 v3, v4  }
0xe2: {  	v4 =	vperm.xlane v3, v0;
	_ =	sdelay $0x1  }
0xe3: {  	v4 =	vadd.s32 v1, v4;
	_ =	sdelay $0x1  }
0xe4: {  	v3 =	vperm.xlane v3, v2;
	_ =	sdelay $0x1  }
0xe5: {  	v3 =	vadd.s32 v1, v3  }
0xe6: {  	[tilespmem:s24], [sflag:$0x1] =	stream.indirect_vreg.gather [hbm4b:s1+s3], $0x80, v4, vm0, $0xb8;
	[tilespmem:$0x1B400] =	vst v63  }
0xe7: {  	_ = 	snop  }
0xe8: {  	[tilespmem:s30], [sflag:$0x1] =	stream.indirect_vreg.gather [hbm4b:s5+s3], $0x80, v4, vm0, $0xb8;
	[tilespmem:$0x1B400] =	vst v63  }
0xe9: {  	_ = 	snop  }
0xea: {  	[tilespmem:s31], [sflag:$0x1] =	stream.indirect_vreg.gather [hbm4b:s1+s3], $0x80, v3, vm0, $0xb8;
	[tilespmem:$0x1B400] =	vst v63  }
0xeb: {  	s8 =	simm.s32 $0x6C00  }
0xec: {  	[tilespmem:s8], [sflag:$0x1] =	stream.indirect_vreg.gather [hbm4b:s5+s3], $0x80, v3, vm0, $0xb8;
	[tilespmem:$0x1B400] =	vst v63  }
0xed: {  	v3 =	vld [tilespmem:$0x1A0];
	_ =	sdelay $0x4  }
0xee: {  	v58 =	vshll.u32 v3, $0x2  }
0xef: {  	v3 =	vand.u32 $0x7, v3;
	v4 =	vand.u32 $0xFFFFFFE0, v58  }
0xf0: {  	v3 =	vor.u32 v3, v4  }
0xf1: {  	v4 =	vperm.xlane v3, v0;
	_ =	sdelay $0x1  }
0xf2: {  	v4 =	vadd.s32 v1, v4;
	_ =	sdelay $0x1  }
0xf3: {  	v3 =	vperm.xlane v3, v2;
	_ =	sdelay $0x1  }
0xf4: {  	s9 =	simm.s32 $0x7400;
	v3 =	vadd.s32 v1, v3  }
0xf5: {  	[tilespmem:s9], [sflag:$0x1] =	stream.indirect_vreg.gather [hbm4b:s1+s3], $0x80, v4, vm0, $0xb8;
	[tilespmem:$0x1B400] =	vst v63  }
0xf6: {  	s10 =	simm.s32 $0x7C00  }
0xf7: {  	[tilespmem:s10], [sflag:$0x1] =	stream.indirect_vreg.gather [hbm4b:s5+s3], $0x80, v4, vm0, $0xb8;
	[tilespmem:$0x1B400] =	vst v63  }
0xf8: {  	s11 =	simm.s32 $0x8400  }
0xf9: {  	[tilespmem:s11], [sflag:$0x1] =	stream.indirect_vreg.gather [hbm4b:s1+s3], $0x80, v3, vm0, $0xb8;
	[tilespmem:$0x1B400] =	vst v63  }
0xfa: {  	s12 =	simm.s32 $0x8C00  }
0xfb: {  	[tilespmem:s12], [sflag:$0x1] =	stream.indirect_vreg.gather [hbm4b:s5+s3], $0x80, v3, vm0, $0xb8;
	[tilespmem:$0x1B400] =	vst v63  }
0xfc: {  	v3 =	vld [tilespmem:$0x1B0];
	_ =	sdelay $0x4  }
0xfd: {  	v59 =	vshll.u32 v3, $0x2  }
0xfe: {  	v3 =	vand.u32 $0x7, v3;
	v4 =	vand.u32 $0xFFFFFFE0, v59  }
0xff: {  	v3 =	vor.u32 v3, v4  }
0x100: {  	v4 =	vperm.xlane v3, v0;
	_ =	sdelay $0x1  }
0x101: {  	v4 =	vadd.s32 v1, v4;
	_ =	sdelay $0x1  }
0x102: {  	v3 =	vperm.xlane v3, v2;
	_ =	sdelay $0x1  }
0x103: {  	s14 =	simm.s32 $0x9400;
	v3 =	vadd.s32 v1, v3  }
0x104: {  	[tilespmem:s14], [sflag:$0x1] =	stream.indirect_vreg.gather [hbm4b:s1+s3], $0x80, v4, vm0, $0xb8;
	[tilespmem:$0x1B400] =	vst v63  }
0x105: {  	s16 =	simm.s32 $0x9C00  }
0x106: {  	[tilespmem:s16], [sflag:$0x1] =	stream.indirect_vreg.gather [hbm4b:s5+s3], $0x80, v4, vm0, $0xb8;
	[tilespmem:$0x1B400] =	vst v63  }
0x107: {  	s20 =	simm.s32 $0xA400  }
0x108: {  	[tilespmem:s20], [sflag:$0x1] =	stream.indirect_vreg.gather [hbm4b:s1+s3], $0x80, v3, vm0, $0xb8;
	[tilespmem:$0x1B400] =	vst v63  }
0x109: {  	s26 =	simm.s32 $0xAC00  }
0x10a: {  	[tilespmem:s26], [sflag:$0x1] =	stream.indirect_vreg.gather [hbm4b:s5+s3], $0x80, v3, vm0, $0xb8;
	[tilespmem:$0x1B400] =	vst v63  }
0x10b: {  	_ =	swait.ge [sflag:s25], $0x8000  }
0x10c: {  	[sflag:s25] =	ssyncset.done $0x0  }
0x10d: {  	[sflag:s25] =	ssyncadd.s32 $0xFFFF8000  }
0x10e: {  	v3 =	vld [tilespmem:$0x200];
	_ =	sdelay $0x4  }
0x10f: {  	v60 =	vshll.u32 v3, $0x2  }
0x110: {  	v3 =	vand.u32 $0x7, v3;
	v4 =	vand.u32 $0xFFFFFFE0, v60  }
0x111: {  	v3 =	vor.u32 v3, v4  }
0x112: {  	v4 =	vperm.xlane v3, v0;
	_ =	sdelay $0x1  }
0x113: {  	v4 =	vadd.s32 v1, v4;
	_ =	sdelay $0x1  }
0x114: {  	v3 =	vperm.xlane v3, v2;
	_ =	sdelay $0x1  }
0x115: {  	s4 =	simm.s32 $0xB400;
	v3 =	vadd.s32 v1, v3  }
0x116: {  	[tilespmem:s4], [sflag:$0x2] =	stream.indirect_vreg.gather [hbm4b:s1+s3], $0x80, v4, vm0, $0xb8;
	[tilespmem:$0x1B400] =	vst v63  }
0x117: {  	s15 =	simm.s32 $0xBC00  }
0x118: {  	[tilespmem:s15], [sflag:$0x2] =	stream.indirect_vreg.gather [hbm4b:s5+s3], $0x80, v4, vm0, $0xb8;
	[tilespmem:$0x1B400] =	vst v63  }
0x119: {  	s6 =	simm.s32 $0xC400  }
0x11a: {  	[tilespmem:s6], [sflag:$0x2] =	stream.indirect_vreg.gather [hbm4b:s1+s3], $0x80, v3, vm0, $0xb8;
	[tilespmem:$0x1B400] =	vst v63  }
0x11b: {  	s16 =	simm.s32 $0xCC00  }
0x11c: {  	[tilespmem:s16], [sflag:$0x2] =	stream.indirect_vreg.gather [hbm4b:s5+s3], $0x80, v3, vm0, $0xb8;
	[tilespmem:$0x1B400] =	vst v63  }
0x11d: {  	v3 =	vld [tilespmem:$0x210];
	_ =	sdelay $0x4  }
0x11e: {  	v61 =	vshll.u32 v3, $0x2  }
0x11f: {  	v3 =	vand.u32 $0x7, v3;
	v4 =	vand.u32 $0xFFFFFFE0, v61  }
0x120: {  	v3 =	vor.u32 v3, v4  }
0x121: {  	v4 =	vperm.xlane v3, v0;
	_ =	sdelay $0x1  }
0x122: {  	v4 =	vadd.s32 v1, v4;
	_ =	sdelay $0x1  }
0x123: {  	v3 =	vperm.xlane v3, v2;
	_ =	sdelay $0x1  }
0x124: {  	s7 =	simm.s32 $0xD400;
	v3 =	vadd.s32 v1, v3  }
0x125: {  	[tilespmem:s7], [sflag:$0x2] =	stream.indirect_vreg.gather [hbm4b:s1+s3], $0x80, v4, vm0, $0xb8;
	[tilespmem:$0x1B400] =	vst v63  }
0x126: {  	s17 =	simm.s32 $0xDC00  }
0x127: {  	[tilespmem:s17], [sflag:$0x2] =	stream.indirect_vreg.gather [hbm4b:s5+s3], $0x80, v4, vm0, $0xb8;
	[tilespmem:$0x1B400] =	vst v63  }
0x128: {  	s8 =	simm.s32 $0xE400  }
0x129: {  	[tilespmem:s8], [sflag:$0x2] =	stream.indirect_vreg.gather [hbm4b:s1+s3], $0x80, v3, vm0, $0xb8;
	[tilespmem:$0x1B400] =	vst v63  }
0x12a: {  	s0 =	simm.s32 $0xEC00  }
0x12b: {  	[tilespmem:s0], [sflag:$0x2] =	stream.indirect_vreg.gather [hbm4b:s5+s3], $0x80, v3, vm0, $0xb8;
	[tilespmem:$0x1B400] =	vst v63  }
0x12c: {  	v3 =	vld [tilespmem:$0x220];
	_ =	sdelay $0x4  }
0x12d: {  	v62 =	vshll.u32 v3, $0x2  }
0x12e: {  	v3 =	vand.u32 $0x7, v3;
	v4 =	vand.u32 $0xFFFFFFE0, v62  }
0x12f: {  	v3 =	vor.u32 v3, v4  }
0x130: {  	v4 =	vperm.xlane v3, v0;
	_ =	sdelay $0x1  }
0x131: {  	v4 =	vadd.s32 v1, v4;
	_ =	sdelay $0x1  }
0x132: {  	v3 =	vperm.xlane v3, v2;
	_ =	sdelay $0x1  }
0x133: {  	s10 =	simm.s32 $0xF400;
	v3 =	vadd.s32 v1, v3  }
0x134: {  	[tilespmem:s10], [sflag:$0x2] =	stream.indirect_vreg.gather [hbm4b:s1+s3], $0x80, v4, vm0, $0xb8;
	[tilespmem:$0x1B400] =	vst v63  }
0x135: {  	s11 =	simm.s32 $0xFC00  }
0x136: {  	[tilespmem:s11], [sflag:$0x2] =	stream.indirect_vreg.gather [hbm4b:s5+s3], $0x80, v4, vm0, $0xb8;
	[tilespmem:$0x1B400] =	vst v63  }
0x137: {  	s12 =	simm.s32 $0x10400  }
0x138: {  	[tilespmem:s12], [sflag:$0x2] =	stream.indirect_vreg.gather [hbm4b:s1+s3], $0x80, v3, vm0, $0xb8;
	[tilespmem:$0x1B400] =	vst v63  }
0x139: {  	s13 =	simm.s32 $0x10C00  }
0x13a: {  	[tilespmem:s13], [sflag:$0x2] =	stream.indirect_vreg.gather [hbm4b:s5+s3], $0x80, v3, vm0, $0xb8;
	[tilespmem:$0x1B400] =	vst v63  }
0x13b: {  	v3 =	vld [tilespmem:$0x230];
	_ =	sdelay $0x4  }
0x13c: {  	v63 =	vshll.u32 v3, $0x2  }
0x13d: {  	v3 =	vand.u32 $0x7, v3;
	v4 =	vand.u32 $0xFFFFFFE0, v63  }
0x13e: {  	v3 =	vor.u32 v3, v4  }
0x13f: {  	v4 =	vperm.xlane v3, v0;
	_ =	sdelay $0x1  }
0x140: {  	v4 =	vadd.s32 v1, v4;
	_ =	sdelay $0x1  }
0x141: {  	v3 =	vperm.xlane v3, v2;
	_ =	sdelay $0x1  }
0x142: {  	s14 =	simm.s32 $0x11400;
	v3 =	vadd.s32 v1, v3  }
0x143: {  	[tilespmem:s14], [sflag:$0x2] =	stream.indirect_vreg.gather [hbm4b:s1+s3], $0x80, v4, vm0, $0xb8;
	[tilespmem:$0x1B400] =	vst v63  }
0x144: {  	s21 =	simm.s32 $0x11C00  }
0x145: {  	[tilespmem:s21], [sflag:$0x2] =	stream.indirect_vreg.gather [hbm4b:s5+s3], $0x80, v4, vm0, $0xb8;
	[tilespmem:$0x1B400] =	vst v63  }
0x146: {  	s22 =	simm.s32 $0x12400  }
0x147: {  	[tilespmem:s22], [sflag:$0x2] =	stream.indirect_vreg.gather [hbm4b:s1+s3], $0x80, v3, vm0, $0xb8;
	[tilespmem:$0x1B400] =	vst v63  }
0x148: {  	s23 =	simm.s32 $0x12C00  }
0x149: {  	[tilespmem:s23], [sflag:$0x2] =	stream.indirect_vreg.gather [hbm4b:s5+s3], $0x80, v3, vm0, $0xb8;
	[tilespmem:$0x1B400] =	vst v63  }
0x14a: {  	s28 =	simm.s32 $0x3C00;
	s2 =	simm.s32 $0x3400;
	_ =	swait.ge [sflag:s19], $0x8000  }
0x14b: {  	s24 =	simm.s32 $0x7400;
	s30 =	simm.s32 $0x6C00;
	[sflag:s19] =	ssyncset.done $0x0  }
0x14c: {  	s31 =	simm.s32 $0x8400;
	s26 =	simm.s32 $0xEC0;
	[sflag:s19] =	ssyncadd.s32 $0xFFFF8000  }
.LBB2_2:
0x14d: {  	s20 =	sshra.s32 s26, $0x2  }
0x14e: {  	v3 =	vld [tilespmem:s20+$0xFFFFFED0];
	_ =	sdelay $0x4  }
0x14f: {  	v4 =	vshll.u32 v3, $0x2  }
0x150: {  	v3 =	vand.u32 $0x7, v3;
	v4 =	vand.u32 $0xFFFFFFE0, v4  }
0x151: {  	v3 =	vor.u32 v3, v4  }
0x152: {  	v4 =	vperm.xlane v3, v0;
	_ =	sdelay $0x1  }
0x153: {  	v4 =	vadd.s32 v1, v4;
	_ =	sdelay $0x1  }
0x154: {  	v3 =	vperm.xlane v3, v2;
	_ =	sdelay $0x1  }
0x155: {  	s9 =	simm.s32 $0x13400;
	v3 =	vadd.s32 v1, v3  }
0x156: {  	[tilespmem:s9], [sflag:$0x3] =	stream.indirect_vreg.gather [hbm4b:s1+s3], $0x80, v4, vm0, $0xb8;
	[tilespmem:$0x1B400] =	vst v63  }
0x157: {  	s9 =	simm.s32 $0x13C00  }
0x158: {  	[tilespmem:s9], [sflag:$0x3] =	stream.indirect_vreg.gather [hbm4b:s5+s3], $0x80, v4, vm0, $0xb8;
	[tilespmem:$0x1B400] =	vst v63  }
0x159: {  	s9 =	simm.s32 $0x14400  }
0x15a: {  	[tilespmem:s9], [sflag:$0x3] =	stream.indirect_vreg.gather [hbm4b:s1+s3], $0x80, v3, vm0, $0xb8;
	[tilespmem:$0x1B400] =	vst v63  }
0x15b: {  	s9 =	simm.s32 $0x14C00  }
0x15c: {  	[tilespmem:s9], [sflag:$0x3] =	stream.indirect_vreg.gather [hbm4b:s5+s3], $0x80, v3, vm0, $0xb8;
	[tilespmem:$0x1B400] =	vst v63  }
0x15d: {  	v3 =	vld [tilespmem:s20+$0xFFFFFEE0];
	_ =	sdelay $0x4  }
0x15e: {  	v53 =	vshll.u32 v3, $0x2  }
0x15f: {  	v3 =	vand.u32 $0x7, v3;
	v4 =	vand.u32 $0xFFFFFFE0, v53  }
0x160: {  	v3 =	vor.u32 v3, v4  }
0x161: {  	v4 =	vperm.xlane v3, v0;
	_ =	sdelay $0x1  }
0x162: {  	v4 =	vadd.s32 v1, v4;
	_ =	sdelay $0x1  }
0x163: {  	v3 =	vperm.xlane v3, v2;
	_ =	sdelay $0x1  }
0x164: {  	s9 =	simm.s32 $0x15400;
	v3 =	vadd.s32 v1, v3  }
0x165: {  	[tilespmem:s9], [sflag:$0x3] =	stream.indirect_vreg.gather [hbm4b:s1+s3], $0x80, v4, vm0, $0xb8;
	[tilespmem:$0x1B400] =	vst v63  }
0x166: {  	s9 =	simm.s32 $0x15C00  }
0x167: {  	[tilespmem:s9], [sflag:$0x3] =	stream.indirect_vreg.gather [hbm4b:s5+s3], $0x80, v4, vm0, $0xb8;
	[tilespmem:$0x1B400] =	vst v63  }
0x168: {  	s9 =	simm.s32 $0x16400  }
0x169: {  	[tilespmem:s9], [sflag:$0x3] =	stream.indirect_vreg.gather [hbm4b:s1+s3], $0x80, v3, vm0, $0xb8;
	[tilespmem:$0x1B400] =	vst v63  }
0x16a: {  	s9 =	simm.s32 $0x16C00  }
0x16b: {  	[tilespmem:s9], [sflag:$0x3] =	stream.indirect_vreg.gather [hbm4b:s5+s3], $0x80, v3, vm0, $0xb8;
	[tilespmem:$0x1B400] =	vst v63  }
0x16c: {  	v3 =	vld [tilespmem:s20+$0xFFFFFEF0];
	_ =	sdelay $0x4  }
0x16d: {  	v54 =	vshll.u32 v3, $0x2  }
0x16e: {  	v3 =	vand.u32 $0x7, v3;
	v4 =	vand.u32 $0xFFFFFFE0, v54  }
0x16f: {  	v3 =	vor.u32 v3, v4  }
0x170: {  	v4 =	vperm.xlane v3, v0;
	_ =	sdelay $0x1  }
0x171: {  	v4 =	vadd.s32 v1, v4;
	_ =	sdelay $0x1  }
0x172: {  	v3 =	vperm.xlane v3, v2;
	_ =	sdelay $0x1  }
0x173: {  	s9 =	simm.s32 $0x17400;
	v3 =	vadd.s32 v1, v3  }
0x174: {  	[tilespmem:s9], [sflag:$0x3] =	stream.indirect_vreg.gather [hbm4b:s1+s3], $0x80, v4, vm0, $0xb8;
	[tilespmem:$0x1B400] =	vst v63  }
0x175: {  	s9 =	simm.s32 $0x17C00  }
0x176: {  	[tilespmem:s9], [sflag:$0x3] =	stream.indirect_vreg.gather [hbm4b:s5+s3], $0x80, v4, vm0, $0xb8;
	[tilespmem:$0x1B400] =	vst v63  }
0x177: {  	s9 =	simm.s32 $0x18400  }
0x178: {  	[tilespmem:s9], [sflag:$0x3] =	stream.indirect_vreg.gather [hbm4b:s1+s3], $0x80, v3, vm0, $0xb8;
	[tilespmem:$0x1B400] =	vst v63  }
0x179: {  	s9 =	simm.s32 $0x18C00  }
0x17a: {  	[tilespmem:s9], [sflag:$0x3] =	stream.indirect_vreg.gather [hbm4b:s5+s3], $0x80, v3, vm0, $0xb8;
	[tilespmem:$0x1B400] =	vst v63  }
0x17b: {  	v3 =	vld [tilespmem:s20+$0xFFFFFF00];
	_ =	sdelay $0x4  }
0x17c: {  	v55 =	vshll.u32 v3, $0x2  }
0x17d: {  	v3 =	vand.u32 $0x7, v3;
	v4 =	vand.u32 $0xFFFFFFE0, v55  }
0x17e: {  	v3 =	vor.u32 v3, v4  }
0x17f: {  	v4 =	vperm.xlane v3, v0;
	_ =	sdelay $0x1  }
0x180: {  	v4 =	vadd.s32 v1, v4;
	_ =	sdelay $0x1  }
0x181: {  	v3 =	vperm.xlane v3, v2;
	_ =	sdelay $0x1  }
0x182: {  	s9 =	simm.s32 $0x19400;
	v3 =	vadd.s32 v1, v3  }
0x183: {  	[tilespmem:s9], [sflag:$0x3] =	stream.indirect_vreg.gather [hbm4b:s1+s3], $0x80, v4, vm0, $0xb8;
	[tilespmem:$0x1B400] =	vst v63  }
0x184: {  	s9 =	simm.s32 $0x19C00  }
0x185: {  	[tilespmem:s9], [sflag:$0x3] =	stream.indirect_vreg.gather [hbm4b:s5+s3], $0x80, v4, vm0, $0xb8;
	[tilespmem:$0x1B400] =	vst v63  }
0x186: {  	s9 =	simm.s32 $0x1A400  }
0x187: {  	[tilespmem:s9], [sflag:$0x3] =	stream.indirect_vreg.gather [hbm4b:s1+s3], $0x80, v3, vm0, $0xb8;
	[tilespmem:$0x1B400] =	vst v63  }
0x188: {  	s9 =	simm.s32 $0x1AC00  }
0x189: {  	[tilespmem:s9], [sflag:$0x3] =	stream.indirect_vreg.gather [hbm4b:s5+s3], $0x80, v3, vm0, $0xb8;
	[tilespmem:$0x1B400] =	vst v63  }
0x18a: {  	_ =	swait.ge [sflag:s18], $0x8000  }
0x18b: {  	[sflag:s18] =	ssyncset.done $0x0  }
0x18c: {  	[sflag:s18] =	ssyncadd.s32 $0xFFFF8000  }
0x18d: {  	v3 =	vld [tilespmem:s20+$0xFFFFFF50];
	_ =	sdelay $0x4  }
0x18e: {  	v56 =	vshll.u32 v3, $0x2  }
0x18f: {  	v3 =	vand.u32 $0x7, v3;
	v4 =	vand.u32 $0xFFFFFFE0, v56  }
0x190: {  	v3 =	vor.u32 v3, v4  }
0x191: {  	v4 =	vperm.xlane v3, v0;
	_ =	sdelay $0x1  }
0x192: {  	v4 =	vadd.s32 v1, v4;
	_ =	sdelay $0x1  }
0x193: {  	v3 =	vperm.xlane v3, v2;
	_ =	sdelay $0x1  }
0x194: {  	v3 =	vadd.s32 v1, v3  }
0x195: {  	[tilespmem:s2], [sflag:$0x1] =	stream.indirect_vreg.gather [hbm4b:s1+s3], $0x80, v4, vm0, $0xb8;
	[tilespmem:$0x1B400] =	vst v63  }
0x196: {  	_ = 	snop  }
0x197: {  	[tilespmem:s28], [sflag:$0x1] =	stream.indirect_vreg.gather [hbm4b:s5+s3], $0x80, v4, vm0, $0xb8;
	[tilespmem:$0x1B400] =	vst v63  }
0x198: {  	s9 =	simm.s32 $0x4400  }
0x199: {  	[tilespmem:s9], [sflag:$0x1] =	stream.indirect_vreg.gather [hbm4b:s1+s3], $0x80, v3, vm0, $0xb8;
	[tilespmem:$0x1B400] =	vst v63  }
0x19a: {  	_ = 	snop  }
0x19b: {  	[tilespmem:s29], [sflag:$0x1] =	stream.indirect_vreg.gather [hbm4b:s5+s3], $0x80, v3, vm0, $0xb8;
	[tilespmem:$0x1B400] =	vst v63  }
0x19c: {  	v3 =	vld [tilespmem:s20+$0xFFFFFF60];
	_ =	sdelay $0x4  }
0x19d: {  	v57 =	vshll.u32 v3, $0x2  }
0x19e: {  	v3 =	vand.u32 $0x7, v3;
	v4 =	vand.u32 $0xFFFFFFE0, v57  }
0x19f: {  	v3 =	vor.u32 v3, v4  }
0x1a0: {  	v4 =	vperm.xlane v3, v0;
	_ =	sdelay $0x1  }
0x1a1: {  	v4 =	vadd.s32 v1, v4;
	_ =	sdelay $0x1  }
0x1a2: {  	v3 =	vperm.xlane v3, v2;
	_ =	sdelay $0x1  }
0x1a3: {  	s9 =	simm.s32 $0x5400;
	v3 =	vadd.s32 v1, v3  }
0x1a4: {  	[tilespmem:s9], [sflag:$0x1] =	stream.indirect_vreg.gather [hbm4b:s1+s3], $0x80, v4, vm0, $0xb8;
	[tilespmem:$0x1B400] =	vst v63  }
0x1a5: {  	s9 =	simm.s32 $0x5C00  }
0x1a6: {  	[tilespmem:s9], [sflag:$0x1] =	stream.indirect_vreg.gather [hbm4b:s5+s3], $0x80, v4, vm0, $0xb8;
	[tilespmem:$0x1B400] =	vst v63  }
0x1a7: {  	s9 =	simm.s32 $0x6400  }
0x1a8: {  	[tilespmem:s9], [sflag:$0x1] =	stream.indirect_vreg.gather [hbm4b:s1+s3], $0x80, v3, vm0, $0xb8;
	[tilespmem:$0x1B400] =	vst v63  }
0x1a9: {  	_ = 	snop  }
0x1aa: {  	[tilespmem:s30], [sflag:$0x1] =	stream.indirect_vreg.gather [hbm4b:s5+s3], $0x80, v3, vm0, $0xb8;
	[tilespmem:$0x1B400] =	vst v63  }
0x1ab: {  	v3 =	vld [tilespmem:s20+$0xFFFFFF70];
	_ =	sdelay $0x4  }
0x1ac: {  	v58 =	vshll.u32 v3, $0x2  }
0x1ad: {  	v3 =	vand.u32 $0x7, v3;
	v4 =	vand.u32 $0xFFFFFFE0, v58  }
0x1ae: {  	v3 =	vor.u32 v3, v4  }
0x1af: {  	v4 =	vperm.xlane v3, v0;
	_ =	sdelay $0x1  }
0x1b0: {  	v4 =	vadd.s32 v1, v4;
	_ =	sdelay $0x1  }
0x1b1: {  	v3 =	vperm.xlane v3, v2;
	_ =	sdelay $0x1  }
0x1b2: {  	v3 =	vadd.s32 v1, v3  }
0x1b3: {  	[tilespmem:s24], [sflag:$0x1] =	stream.indirect_vreg.gather [hbm4b:s1+s3], $0x80, v4, vm0, $0xb8;
	[tilespmem:$0x1B400] =	vst v63  }
0x1b4: {  	s9 =	simm.s32 $0x7C00  }
0x1b5: {  	[tilespmem:s9], [sflag:$0x1] =	stream.indirect_vreg.gather [hbm4b:s5+s3], $0x80, v4, vm0, $0xb8;
	[tilespmem:$0x1B400] =	vst v63  }
0x1b6: {  	_ = 	snop  }
0x1b7: {  	[tilespmem:s31], [sflag:$0x1] =	stream.indirect_vreg.gather [hbm4b:s1+s3], $0x80, v3, vm0, $0xb8;
	[tilespmem:$0x1B400] =	vst v63  }
0x1b8: {  	s9 =	simm.s32 $0x8C00  }
0x1b9: {  	[tilespmem:s9], [sflag:$0x1] =	stream.indirect_vreg.gather [hbm4b:s5+s3], $0x80, v3, vm0, $0xb8;
	[tilespmem:$0x1B400] =	vst v63  }
0x1ba: {  	v3 =	vld [tilespmem:s20+$0xFFFFFF80];
	_ =	sdelay $0x4  }
0x1bb: {  	v59 =	vshll.u32 v3, $0x2  }
0x1bc: {  	v3 =	vand.u32 $0x7, v3;
	v4 =	vand.u32 $0xFFFFFFE0, v59  }
0x1bd: {  	v3 =	vor.u32 v3, v4  }
0x1be: {  	v4 =	vperm.xlane v3, v0;
	_ =	sdelay $0x1  }
0x1bf: {  	v4 =	vadd.s32 v1, v4;
	_ =	sdelay $0x1  }
0x1c0: {  	v3 =	vperm.xlane v3, v2;
	_ =	sdelay $0x1  }
0x1c1: {  	s9 =	simm.s32 $0x9400;
	v3 =	vadd.s32 v1, v3  }
0x1c2: {  	[tilespmem:s9], [sflag:$0x1] =	stream.indirect_vreg.gather [hbm4b:s1+s3], $0x80, v4, vm0, $0xb8;
	[tilespmem:$0x1B400] =	vst v63  }
0x1c3: {  	s9 =	simm.s32 $0x9C00  }
0x1c4: {  	[tilespmem:s9], [sflag:$0x1] =	stream.indirect_vreg.gather [hbm4b:s5+s3], $0x80, v4, vm0, $0xb8;
	[tilespmem:$0x1B400] =	vst v63  }
0x1c5: {  	s9 =	simm.s32 $0xA400  }
0x1c6: {  	[tilespmem:s9], [sflag:$0x1] =	stream.indirect_vreg.gather [hbm4b:s1+s3], $0x80, v3, vm0, $0xb8;
	[tilespmem:$0x1B400] =	vst v63  }
0x1c7: {  	s9 =	simm.s32 $0xAC00  }
0x1c8: {  	[tilespmem:s9], [sflag:$0x1] =	stream.indirect_vreg.gather [hbm4b:s5+s3], $0x80, v3, vm0, $0xb8;
	[tilespmem:$0x1B400] =	vst v63  }
0x1c9: {  	_ =	swait.ge [sflag:s25], $0x8000  }
0x1ca: {  	[sflag:s25] =	ssyncset.done $0x0  }
0x1cb: {  	[sflag:s25] =	ssyncadd.s32 $0xFFFF8000  }
0x1cc: {  	v3 =	vld [tilespmem:s20+$0xFFFFFFD0];
	_ =	sdelay $0x4  }
0x1cd: {  	v60 =	vshll.u32 v3, $0x2  }
0x1ce: {  	v3 =	vand.u32 $0x7, v3;
	v4 =	vand.u32 $0xFFFFFFE0, v60  }
0x1cf: {  	v3 =	vor.u32 v3, v4  }
0x1d0: {  	v4 =	vperm.xlane v3, v0;
	_ =	sdelay $0x1  }
0x1d1: {  	v4 =	vadd.s32 v1, v4;
	_ =	sdelay $0x1  }
0x1d2: {  	v3 =	vperm.xlane v3, v2;
	_ =	sdelay $0x1  }
0x1d3: {  	v3 =	vadd.s32 v1, v3  }
0x1d4: {  	[tilespmem:s4], [sflag:$0x2] =	stream.indirect_vreg.gather [hbm4b:s1+s3], $0x80, v4, vm0, $0xb8;
	[tilespmem:$0x1B400] =	vst v63  }
0x1d5: {  	_ = 	snop  }
0x1d6: {  	[tilespmem:s15], [sflag:$0x2] =	stream.indirect_vreg.gather [hbm4b:s5+s3], $0x80, v4, vm0, $0xb8;
	[tilespmem:$0x1B400] =	vst v63  }
0x1d7: {  	_ = 	snop  }
0x1d8: {  	[tilespmem:s6], [sflag:$0x2] =	stream.indirect_vreg.gather [hbm4b:s1+s3], $0x80, v3, vm0, $0xb8;
	[tilespmem:$0x1B400] =	vst v63  }
0x1d9: {  	_ = 	snop  }
0x1da: {  	[tilespmem:s16], [sflag:$0x2] =	stream.indirect_vreg.gather [hbm4b:s5+s3], $0x80, v3, vm0, $0xb8;
	[tilespmem:$0x1B400] =	vst v63  }
0x1db: {  	v3 =	vld [tilespmem:s20+$0xFFFFFFE0];
	_ =	sdelay $0x4  }
0x1dc: {  	v61 =	vshll.u32 v3, $0x2  }
0x1dd: {  	v3 =	vand.u32 $0x7, v3;
	v4 =	vand.u32 $0xFFFFFFE0, v61  }
0x1de: {  	v3 =	vor.u32 v3, v4  }
0x1df: {  	v4 =	vperm.xlane v3, v0;
	_ =	sdelay $0x1  }
0x1e0: {  	v4 =	vadd.s32 v1, v4;
	_ =	sdelay $0x1  }
0x1e1: {  	v3 =	vperm.xlane v3, v2;
	_ =	sdelay $0x1  }
0x1e2: {  	v3 =	vadd.s32 v1, v3  }
0x1e3: {  	[tilespmem:s7], [sflag:$0x2] =	stream.indirect_vreg.gather [hbm4b:s1+s3], $0x80, v4, vm0, $0xb8;
	[tilespmem:$0x1B400] =	vst v63  }
0x1e4: {  	_ = 	snop  }
0x1e5: {  	[tilespmem:s17], [sflag:$0x2] =	stream.indirect_vreg.gather [hbm4b:s5+s3], $0x80, v4, vm0, $0xb8;
	[tilespmem:$0x1B400] =	vst v63  }
0x1e6: {  	_ = 	snop  }
0x1e7: {  	[tilespmem:s8], [sflag:$0x2] =	stream.indirect_vreg.gather [hbm4b:s1+s3], $0x80, v3, vm0, $0xb8;
	[tilespmem:$0x1B400] =	vst v63  }
0x1e8: {  	_ = 	snop  }
0x1e9: {  	[tilespmem:s0], [sflag:$0x2] =	stream.indirect_vreg.gather [hbm4b:s5+s3], $0x80, v3, vm0, $0xb8;
	[tilespmem:$0x1B400] =	vst v63  }
0x1ea: {  	v3 =	vld [tilespmem:s20+$0xFFFFFFF0];
	_ =	sdelay $0x4  }
0x1eb: {  	v62 =	vshll.u32 v3, $0x2  }
0x1ec: {  	v3 =	vand.u32 $0x7, v3;
	v4 =	vand.u32 $0xFFFFFFE0, v62  }
0x1ed: {  	v3 =	vor.u32 v3, v4  }
0x1ee: {  	v4 =	vperm.xlane v3, v0;
	_ =	sdelay $0x1  }
0x1ef: {  	v4 =	vadd.s32 v1, v4;
	_ =	sdelay $0x1  }
0x1f0: {  	v3 =	vperm.xlane v3, v2;
	_ =	sdelay $0x1  }
0x1f1: {  	v3 =	vadd.s32 v1, v3  }
0x1f2: {  	[tilespmem:s10], [sflag:$0x2] =	stream.indirect_vreg.gather [hbm4b:s1+s3], $0x80, v4, vm0, $0xb8;
	[tilespmem:$0x1B400] =	vst v63  }
0x1f3: {  	_ = 	snop  }
0x1f4: {  	[tilespmem:s11], [sflag:$0x2] =	stream.indirect_vreg.gather [hbm4b:s5+s3], $0x80, v4, vm0, $0xb8;
	[tilespmem:$0x1B400] =	vst v63  }
0x1f5: {  	_ = 	snop  }
0x1f6: {  	[tilespmem:s12], [sflag:$0x2] =	stream.indirect_vreg.gather [hbm4b:s1+s3], $0x80, v3, vm0, $0xb8;
	[tilespmem:$0x1B400] =	vst v63  }
0x1f7: {  	_ = 	snop  }
0x1f8: {  	[tilespmem:s13], [sflag:$0x2] =	stream.indirect_vreg.gather [hbm4b:s5+s3], $0x80, v3, vm0, $0xb8;
	[tilespmem:$0x1B400] =	vst v63  }
0x1f9: {  	v3 =	vld [tilespmem:s20+$0x0];
	_ =	sdelay $0x4  }
0x1fa: {  	v63 =	vshll.u32 v3, $0x2  }
0x1fb: {  	v3 =	vand.u32 $0x7, v3;
	v4 =	vand.u32 $0xFFFFFFE0, v63  }
0x1fc: {  	v3 =	vor.u32 v3, v4  }
0x1fd: {  	v4 =	vperm.xlane v3, v0;
	_ =	sdelay $0x1  }
0x1fe: {  	v4 =	vadd.s32 v1, v4;
	_ =	sdelay $0x1  }
0x1ff: {  	v3 =	vperm.xlane v3, v2;
	_ =	sdelay $0x1  }
0x200: {  	v3 =	vadd.s32 v1, v3  }
0x201: {  	[tilespmem:s14], [sflag:$0x2] =	stream.indirect_vreg.gather [hbm4b:s1+s3], $0x80, v4, vm0, $0xb8;
	[tilespmem:$0x1B400] =	vst v63  }
0x202: {  	_ = 	snop  }
0x203: {  	[tilespmem:s21], [sflag:$0x2] =	stream.indirect_vreg.gather [hbm4b:s5+s3], $0x80, v4, vm0, $0xb8;
	[tilespmem:$0x1B400] =	vst v63  }
0x204: {  	p0 =	sne.s32 s26, $0xC2C0  }
0x205: {  	[tilespmem:s22], [sflag:$0x2] =	stream.indirect_vreg.gather [hbm4b:s1+s3], $0x80, v3, vm0, $0xb8;
	[tilespmem:$0x1B400] =	vst v63  }
.Ltmp0:
0x206: {  	_ = 	snop;
	(pc) =	sbr.rel @p0 .LBB2_2-.Ltmp0, $4  }
0x207: {  	[tilespmem:s23], [sflag:$0x2] =	stream.indirect_vreg.gather [hbm4b:s5+s3], $0x80, v3, vm0, $0xb8;
	[tilespmem:$0x1B400] =	vst v63  }
0x208: {  	_ =	swait.ge [sflag:s19], $0x8000  }
0x209: {  	[sflag:s19] =	ssyncset.done $0x0  }
0x20a: {  	s26 =	sadd.s32 $0x600, s26;
	[sflag:s19] =	ssyncadd.s32 $0xFFFF8000  }
0x20b: {  	v3 =	vld [tilespmem:$0x3100];
	_ =	sdelay $0x4  }
0x20c: {  	v4 =	vshll.u32 v3, $0x2  }
0x20d: {  	v3 =	vand.u32 $0x7, v3;
	v4 =	vand.u32 $0xFFFFFFE0, v4  }
0x20e: {  	v3 =	vor.u32 v3, v4  }
0x20f: {  	v4 =	vperm.xlane v3, v0;
	_ =	sdelay $0x1  }
0x210: {  	v4 =	vadd.s32 v1, v4;
	_ =	sdelay $0x1  }
0x211: {  	v3 =	vperm.xlane v3, v2;
	_ =	sdelay $0x1  }
0x212: {  	s0 =	simm.s32 $0x13400;
	v3 =	vadd.s32 v1, v3  }
0x213: {  	[tilespmem:s0], [sflag:$0x3] =	stream.indirect_vreg.gather [hbm4b:s1+s3], $0x80, v4, vm0, $0xb8;
	[tilespmem:$0x1B400] =	vst v63  }
0x214: {  	s22 =	simm.s32 $0x13C00  }
0x215: {  	[tilespmem:s22], [sflag:$0x3] =	stream.indirect_vreg.gather [hbm4b:s5+s3], $0x80, v4, vm0, $0xb8;
	[tilespmem:$0x1B400] =	vst v63  }
0x216: {  	s23 =	simm.s32 $0x14400  }
0x217: {  	[tilespmem:s23], [sflag:$0x3] =	stream.indirect_vreg.gather [hbm4b:s1+s3], $0x80, v3, vm0, $0xb8;
	[tilespmem:$0x1B400] =	vst v63  }
0x218: {  	s26 =	simm.s32 $0x14C00  }
0x219: {  	[tilespmem:s26], [sflag:$0x3] =	stream.indirect_vreg.gather [hbm4b:s5+s3], $0x80, v3, vm0, $0xb8;
	[tilespmem:$0x1B400] =	vst v63  }
0x21a: {  	v3 =	vld [tilespmem:$0x3110];
	_ =	sdelay $0x4  }
0x21b: {  	v57 =	vshll.u32 v3, $0x2  }
0x21c: {  	v3 =	vand.u32 $0x7, v3;
	v4 =	vand.u32 $0xFFFFFFE0, v57  }
0x21d: {  	v3 =	vor.u32 v3, v4  }
0x21e: {  	v4 =	vperm.xlane v3, v0;
	_ =	sdelay $0x1  }
0x21f: {  	v4 =	vadd.s32 v1, v4;
	_ =	sdelay $0x1  }
0x220: {  	v3 =	vperm.xlane v3, v2;
	_ =	sdelay $0x1  }
0x221: {  	s2 =	simm.s32 $0x15400;
	v3 =	vadd.s32 v1, v3  }
0x222: {  	[tilespmem:s2], [sflag:$0x3] =	stream.indirect_vreg.gather [hbm4b:s1+s3], $0x80, v4, vm0, $0xb8;
	[tilespmem:$0x1B400] =	vst v63  }
0x223: {  	s4 =	simm.s32 $0x15C00  }
0x224: {  	[tilespmem:s4], [sflag:$0x3] =	stream.indirect_vreg.gather [hbm4b:s5+s3], $0x80, v4, vm0, $0xb8;
	[tilespmem:$0x1B400] =	vst v63  }
0x225: {  	s6 =	simm.s32 $0x16400  }
0x226: {  	[tilespmem:s6], [sflag:$0x3] =	stream.indirect_vreg.gather [hbm4b:s1+s3], $0x80, v3, vm0, $0xb8;
	[tilespmem:$0x1B400] =	vst v63  }
0x227: {  	s7 =	simm.s32 $0x16C00  }
0x228: {  	[tilespmem:s7], [sflag:$0x3] =	stream.indirect_vreg.gather [hbm4b:s5+s3], $0x80, v3, vm0, $0xb8;
	[tilespmem:$0x1B400] =	vst v63  }
0x229: {  	v3 =	vld [tilespmem:$0x3120];
	_ =	sdelay $0x4  }
0x22a: {  	v58 =	vshll.u32 v3, $0x2  }
0x22b: {  	v3 =	vand.u32 $0x7, v3;
	v4 =	vand.u32 $0xFFFFFFE0, v58  }
0x22c: {  	v3 =	vor.u32 v3, v4  }
0x22d: {  	v4 =	vperm.xlane v3, v0;
	_ =	sdelay $0x1  }
0x22e: {  	v4 =	vadd.s32 v1, v4;
	_ =	sdelay $0x1  }
0x22f: {  	v3 =	vperm.xlane v3, v2;
	_ =	sdelay $0x1  }
0x230: {  	s8 =	simm.s32 $0x17400;
	v3 =	vadd.s32 v1, v3  }
0x231: {  	[tilespmem:s8], [sflag:$0x3] =	stream.indirect_vreg.gather [hbm4b:s1+s3], $0x80, v4, vm0, $0xb8;
	[tilespmem:$0x1B400] =	vst v63  }
0x232: {  	s9 =	simm.s32 $0x17C00  }
0x233: {  	[tilespmem:s9], [sflag:$0x3] =	stream.indirect_vreg.gather [hbm4b:s5+s3], $0x80, v4, vm0, $0xb8;
	[tilespmem:$0x1B400] =	vst v63  }
0x234: {  	s10 =	simm.s32 $0x18400  }
0x235: {  	[tilespmem:s10], [sflag:$0x3] =	stream.indirect_vreg.gather [hbm4b:s1+s3], $0x80, v3, vm0, $0xb8;
	[tilespmem:$0x1B400] =	vst v63  }
0x236: {  	s11 =	simm.s32 $0x18C00  }
0x237: {  	[tilespmem:s11], [sflag:$0x3] =	stream.indirect_vreg.gather [hbm4b:s5+s3], $0x80, v3, vm0, $0xb8;
	[tilespmem:$0x1B400] =	vst v63  }
0x238: {  	v3 =	vld [tilespmem:$0x3130];
	_ =	sdelay $0x4  }
0x239: {  	v59 =	vshll.u32 v3, $0x2  }
0x23a: {  	v3 =	vand.u32 $0x7, v3;
	v4 =	vand.u32 $0xFFFFFFE0, v59  }
0x23b: {  	v3 =	vor.u32 v3, v4  }
0x23c: {  	v4 =	vperm.xlane v3, v0;
	_ =	sdelay $0x1  }
0x23d: {  	v4 =	vadd.s32 v1, v4;
	_ =	sdelay $0x1  }
0x23e: {  	v3 =	vperm.xlane v3, v2;
	_ =	sdelay $0x1  }
0x23f: {  	s12 =	simm.s32 $0x19400;
	v3 =	vadd.s32 v1, v3  }
0x240: {  	[tilespmem:s12], [sflag:$0x3] =	stream.indirect_vreg.gather [hbm4b:s1+s3], $0x80, v4, vm0, $0xb8;
	[tilespmem:$0x1B400] =	vst v63  }
0x241: {  	s13 =	simm.s32 $0x19C00  }
0x242: {  	[tilespmem:s13], [sflag:$0x3] =	stream.indirect_vreg.gather [hbm4b:s5+s3], $0x80, v4, vm0, $0xb8;
	[tilespmem:$0x1B400] =	vst v63  }
0x243: {  	s14 =	simm.s32 $0x1A400  }
0x244: {  	[tilespmem:s14], [sflag:$0x3] =	stream.indirect_vreg.gather [hbm4b:s1+s3], $0x80, v3, vm0, $0xb8;
	[tilespmem:$0x1B400] =	vst v63  }
0x245: {  	s15 =	simm.s32 $0x1AC00  }
0x246: {  	[tilespmem:s15], [sflag:$0x3] =	stream.indirect_vreg.gather [hbm4b:s5+s3], $0x80, v3, vm0, $0xb8;
	[tilespmem:$0x1B400] =	vst v63  }
0x247: {  	_ =	swait.ge [sflag:s18], $0x8000  }
0x248: {  	[sflag:s18] =	ssyncset.done $0x0  }
0x249: {  	[sflag:s18] =	ssyncadd.s32 $0xFFFF8000  }
0x24a: {  	v3 =	vld [tilespmem:$0x3180];
	_ =	sdelay $0x4  }
0x24b: {  	v60 =	vshll.u32 v3, $0x2  }
0x24c: {  	v3 =	vand.u32 $0x7, v3;
	v4 =	vand.u32 $0xFFFFFFE0, v60  }
0x24d: {  	v3 =	vor.u32 v3, v4  }
0x24e: {  	v4 =	vperm.xlane v3, v0;
	_ =	sdelay $0x1  }
0x24f: {  	v4 =	vadd.s32 v1, v4;
	_ =	sdelay $0x1  }
0x250: {  	v3 =	vperm.xlane v3, v2;
	_ =	sdelay $0x1  }
0x251: {  	s2 =	simm.s32 $0x3400;
	v3 =	vadd.s32 v1, v3  }
0x252: {  	[tilespmem:s2], [sflag:$0x1] =	stream.indirect_vreg.gather [hbm4b:s1+s3], $0x80, v4, vm0, $0xb8;
	[tilespmem:$0x1B400] =	vst v63  }
0x253: {  	_ = 	snop  }
0x254: {  	[tilespmem:s28], [sflag:$0x1] =	stream.indirect_vreg.gather [hbm4b:s5+s3], $0x80, v4, vm0, $0xb8;
	[tilespmem:$0x1B400] =	vst v63  }
0x255: {  	s16 =	simm.s32 $0x4400  }
0x256: {  	[tilespmem:s16], [sflag:$0x1] =	stream.indirect_vreg.gather [hbm4b:s1+s3], $0x80, v3, vm0, $0xb8;
	[tilespmem:$0x1B400] =	vst v63  }
0x257: {  	_ = 	snop  }
0x258: {  	[tilespmem:s29], [sflag:$0x1] =	stream.indirect_vreg.gather [hbm4b:s5+s3], $0x80, v3, vm0, $0xb8;
	[tilespmem:$0x1B400] =	vst v63  }
0x259: {  	v3 =	vld [tilespmem:$0x3190];
	_ =	sdelay $0x4  }
0x25a: {  	v61 =	vshll.u32 v3, $0x2  }
0x25b: {  	v3 =	vand.u32 $0x7, v3;
	v4 =	vand.u32 $0xFFFFFFE0, v61  }
0x25c: {  	v3 =	vor.u32 v3, v4  }
0x25d: {  	v4 =	vperm.xlane v3, v0;
	_ =	sdelay $0x1  }
0x25e: {  	v4 =	vadd.s32 v1, v4;
	_ =	sdelay $0x1  }
0x25f: {  	v3 =	vperm.xlane v3, v2;
	_ =	sdelay $0x1  }
0x260: {  	s17 =	simm.s32 $0x5400;
	v3 =	vadd.s32 v1, v3  }
0x261: {  	[tilespmem:s17], [sflag:$0x1] =	stream.indirect_vreg.gather [hbm4b:s1+s3], $0x80, v4, vm0, $0xb8;
	[tilespmem:$0x1B400] =	vst v63  }
0x262: {  	s20 =	simm.s32 $0x5C00  }
0x263: {  	[tilespmem:s20], [sflag:$0x1] =	stream.indirect_vreg.gather [hbm4b:s5+s3], $0x80, v4, vm0, $0xb8;
	[tilespmem:$0x1B400] =	vst v63  }
0x264: {  	s21 =	simm.s32 $0x6400  }
0x265: {  	[tilespmem:s21], [sflag:$0x1] =	stream.indirect_vreg.gather [hbm4b:s1+s3], $0x80, v3, vm0, $0xb8;
	[tilespmem:$0x1B400] =	vst v63  }
0x266: {  	_ = 	snop  }
0x267: {  	[tilespmem:s30], [sflag:$0x1] =	stream.indirect_vreg.gather [hbm4b:s5+s3], $0x80, v3, vm0, $0xb8;
	[tilespmem:$0x1B400] =	vst v63  }
0x268: {  	v3 =	vld [tilespmem:$0x31A0];
	_ =	sdelay $0x4  }
0x269: {  	v62 =	vshll.u32 v3, $0x2  }
0x26a: {  	v3 =	vand.u32 $0x7, v3;
	v4 =	vand.u32 $0xFFFFFFE0, v62  }
0x26b: {  	v3 =	vor.u32 v3, v4  }
0x26c: {  	v4 =	vperm.xlane v3, v0;
	_ =	sdelay $0x1  }
0x26d: {  	v4 =	vadd.s32 v1, v4;
	_ =	sdelay $0x1  }
0x26e: {  	v3 =	vperm.xlane v3, v2;
	_ =	sdelay $0x1  }
0x26f: {  	v3 =	vadd.s32 v1, v3  }
0x270: {  	[tilespmem:s24], [sflag:$0x1] =	stream.indirect_vreg.gather [hbm4b:s1+s3], $0x80, v4, vm0, $0xb8;
	[tilespmem:$0x1B400] =	vst v63  }
0x271: {  	s22 =	simm.s32 $0x7C00  }
0x272: {  	[tilespmem:s22], [sflag:$0x1] =	stream.indirect_vreg.gather [hbm4b:s5+s3], $0x80, v4, vm0, $0xb8;
	[tilespmem:$0x1B400] =	vst v63  }
0x273: {  	_ = 	snop  }
0x274: {  	[tilespmem:s31], [sflag:$0x1] =	stream.indirect_vreg.gather [hbm4b:s1+s3], $0x80, v3, vm0, $0xb8;
	[tilespmem:$0x1B400] =	vst v63  }
0x275: {  	s23 =	simm.s32 $0x8C00  }
0x276: {  	[tilespmem:s23], [sflag:$0x1] =	stream.indirect_vreg.gather [hbm4b:s5+s3], $0x80, v3, vm0, $0xb8;
	[tilespmem:$0x1B400] =	vst v63  }
0x277: {  	v3 =	vld [tilespmem:$0x31B0];
	_ =	sdelay $0x4  }
0x278: {  	v63 =	vshll.u32 v3, $0x2  }
0x279: {  	v3 =	vand.u32 $0x7, v3;
	v4 =	vand.u32 $0xFFFFFFE0, v63  }
0x27a: {  	v3 =	vor.u32 v3, v4  }
0x27b: {  	v4 =	vperm.xlane v3, v0;
	_ =	sdelay $0x1  }
0x27c: {  	v4 =	vadd.s32 v1, v4;
	_ =	sdelay $0x1  }
0x27d: {  	v3 =	vperm.xlane v3, v2;
	_ =	sdelay $0x1  }
0x27e: {  	s24 =	simm.s32 $0x9400;
	v3 =	vadd.s32 v1, v3  }
0x27f: {  	[tilespmem:s24], [sflag:$0x1] =	stream.indirect_vreg.gather [hbm4b:s1+s3], $0x80, v4, vm0, $0xb8;
	[tilespmem:$0x1B400] =	vst v63  }
0x280: {  	s26 =	simm.s32 $0x9C00  }
0x281: {  	[tilespmem:s26], [sflag:$0x1] =	stream.indirect_vreg.gather [hbm4b:s5+s3], $0x80, v4, vm0, $0xb8;
	[tilespmem:$0x1B400] =	vst v63  }
0x282: {  	s28 =	simm.s32 $0xA400  }
0x283: {  	[tilespmem:s28], [sflag:$0x1] =	stream.indirect_vreg.gather [hbm4b:s1+s3], $0x80, v3, vm0, $0xb8;
	[tilespmem:$0x1B400] =	vst v63  }
0x284: {  	s30 =	simm.s32 $0xAC00  }
0x285: {  	[tilespmem:s30], [sflag:$0x1] =	stream.indirect_vreg.gather [hbm4b:s5+s3], $0x80, v3, vm0, $0xb8;
	[tilespmem:$0x1B400] =	vst v63  }
0x286: {  	_ =	swait.ge [sflag:s25], $0x8000  }
0x287: {  	[sflag:s25] =	ssyncset.done $0x0  }
0x288: {  	[sflag:s25] =	ssyncadd.s32 $0xFFFF8000  }
0x289: {  	_ =	swait.ge [sflag:s19], $0x8000  }
0x28a: {  	[sflag:s19] =	ssyncset.done $0x0  }
0x28b: {  	[sflag:s19] =	ssyncadd.s32 $0xFFFF8000  }
0x28c: {  	_ =	swait.ge [sflag:s18], $0x8000  }
0x28d: {  	[sflag:s18] =	ssyncset.done $0x0  }
0x28e: {  	s26 =	simm.s32 $0x4;
	s20 =	rddreg [dreg:$0x5];
	[sflag:s18] =	ssyncadd.s32 $0xFFFF8000  }
0x28f: {  	[hbm4b:s20+s3] =	stream.linear.scatter [tilespmem:s2], [sflag:$0x4], $0x8000, $0x38;
	[tilespmem:$0x1B400] =	vst v63  }
0x290: {  	_ =	swait.ge [sflag:s26], $0x8000  }
0x291: {  	s0 =	simm.s32 $0xB400;
	s9 =	rddreg [dreg:$0x7]  }
0x292: {  	s4 =	simm.s32 $0xC400;
	s31 =	rddreg [dreg:$0x6];
	s9 =	sadd.s32 $0x1, s9  }
0x293: {  	s6 =	simm.s32 $0xCC00;
	s7 =	simm.s32 $0xD400;
	p0 =	sne.s32 s9, s31  }
.Ltmp1:
0x294: {  	s8 =	simm.s32 $0xE400;
	s10 =	simm.s32 $0xDC00;
	(pc) =	sbr.rel @p0 .LBB2_1-.Ltmp1, $4  }
0x295: {  	s11 =	simm.s32 $0xEC00;
	s12 =	simm.s32 $0xF400;
	s13 =	simm.s32 $0xFC00  }
0x296: {  	s14 =	simm.s32 $0x10400;
	s15 =	simm.s32 $0x10C00;
	s16 =	simm.s32 $0x11400  }
0x297: {  	s17 =	simm.s32 $0x11C00;
	s21 =	simm.s32 $0x12400;
	[sflag:s26] =	ssyncset.done $0x0  }
0x298: {  	s22 =	simm.s32 $0x12C00;
	s2 =	simm.s32 $0xBC00;
	[sflag:s26] =	ssyncadd.s32 $0xFFFF8000  }
0x299: {  	_ =	sfence.sel $0x180000  }
0x29a: {  	[bflag:$0x0] =	sbarrier.arrive $0xFFFF  }
0x29b: {  	_ =	strace $0x90000047  }
0x29c: {  	s0 =	stileid.u32;
	[bflag:$0x2] =	sbarrier.arrive $0xFFFF  }
0x29d: {  	p0 =	sne.s32 s0, $0x0;
	s0 =	rddreg [dreg:$0x3]  }
0x29e: {  	s0 =	sadd.s32 @!p0 $0x100000, s0  }
0x29f: {  	[sflag:s0] =	ssyncadd.tile.s32 @!p0 $0x1;
	_ =	shalt  }
.Lfunc_end2:
_tile_overlayer_lowered:
.L_overlay_start_2:
0x2a0: {  	(tag) =	ssettag $0x2  }
0x2a1: {  	s0 =	rddreg [dreg:$0x0];
	s2 =	stileid.u32  }
0x2a2: {  	s1 =	rddreg [dreg:$0x1];
	p0 =	sne.s32 s2, $0x0  }
0x2a3: {  	s3 =	rddreg [dreg:$0x2];
	[bflag:$0x3] =	sbarrier.arrive $0xFFFF;
	s2 =	simm.s32 @!p0 $0x1C04  }
0x2a4: {  	[timem:s3], [sflag:s2] =	dma.local @!p0 [hbm:s0], s1  }
0x2a5: {  	s0 =	simm.s32 @!p0 $0x4  }
0x2a6: {  	_ =	swait.ge @!p0 [sflag:s0], s1  }
0x2a7: {  	s1 =	ssub.s32 @!p0 $0x0, s1;
	[sflag:s0] =	ssyncset.done @!p0 $0x0  }
0x2a8: {  	[sflag:s0] =	ssyncadd.s32 @!p0 s1  }
0x2a9: {  	[bflag:$0x3] =	sbarrier.arrive $0xFFFF  }
0x2aa: {  	_ =	shalt  }

</sc_bundles>
